<compile_context>
chip_gen: v7x
topology: tpu7x:2x2x1
jax: 0.10.2.dev20260603
libtpu: 0.0.44.dev20260713+nightly
codegen_flags: <defaults>
</compile_context>

<pallas_src>
import functools

import jax
import jax.numpy as jnp
from jax import lax
from jax.experimental import pallas as pl
from jax.experimental.pallas import tpu as pltpu
from jax.experimental.pallas import tpu_sc as plsc

_N = 10000
_E = 320000
_D = 128
_B = 64
_C = 16
_L = 400

_NT = 16
_EK = 80
_EPT = _E // _NT
_RPT = _EPT // _EK
_NPAD = 10240
_NPT = _NPAD // _NT
_DEGW = 64
_DH = _D // 2

@functools.cache
def _sc_kernels():
    mesh = plsc.VectorSubcoreMesh(core_axis_name="c", subcore_axis_name="s",
                                  num_cores=2, num_subcores=_NT)

    @functools.partial(
        pl.kernel,
        out_type=jax.ShapeDtypeStruct((2 * _NPAD, _DEGW), jnp.float32),
        mesh=mesh,
        scratch_types=[
            pltpu.VMEM((_RPT, _EK), jnp.int32),
            pltpu.VMEM((_EK, _DEGW), jnp.float32),
            pltpu.VMEM_SHARED((_NPAD, _DEGW), jnp.float32),
        ],
        compiler_params=pltpu.CompilerParams(use_tc_tiling_on_sc=False),
    )
    def _sc_degree(dst_hbm, ones_hbm, zeros_hbm, out_hbm, idx_v, ones_v, acc):
        c = lax.axis_index("c")
        s = lax.axis_index("s")
        pltpu.sync_copy(ones_hbm, ones_v)
        r0 = s * _NPT
        pltpu.sync_copy(zeros_hbm.at[pl.ds(r0, _NPT)], acc.at[pl.ds(r0, _NPT)])
        pltpu.sync_copy(dst_hbm.at[c * _NT + s], idx_v)
        plsc.subcore_barrier()

        def body(j, carry):
            pltpu.sync_copy(ones_v, acc.at[idx_v.at[j]], add=True)
            return carry

        lax.fori_loop(0, _RPT, body, 0, unroll=False)
        plsc.subcore_barrier()
        pltpu.sync_copy(acc.at[pl.ds(r0, _NPT)],
                        out_hbm.at[pl.ds(c * _NPAD + r0, _NPT)])

    @functools.partial(
        pl.kernel,
        out_type=jax.ShapeDtypeStruct((2 * _NPAD, _DH), jnp.float32),
        mesh=mesh,
        scratch_types=[
            pltpu.VMEM((_RPT, _EK), jnp.int32),
            pltpu.VMEM((_RPT, _EK), jnp.int32),
            pltpu.VMEM((2, _EK, _DH), jnp.float32),
            pltpu.VMEM_SHARED((_NPAD, _DH), jnp.float32),
            pltpu.SemaphoreType.DMA,
        ],
        compiler_params=pltpu.CompilerParams(use_tc_tiling_on_sc=False),
    )
    def _sc_scatter(g_hbm, src_hbm, dst_hbm, zeros_hbm, out_hbm,
                    src_v, dst_v, rows_v, acc, sem):
        c = lax.axis_index("c")
        s = lax.axis_index("s")
        r0 = s * _NPT
        pltpu.sync_copy(zeros_hbm.at[pl.ds(r0, _NPT)], acc.at[pl.ds(r0, _NPT)])
        pltpu.sync_copy(src_hbm.at[c * _NT + s], src_v)
        pltpu.sync_copy(dst_hbm.at[c * _NT + s], dst_v)
        plsc.subcore_barrier()
        pltpu.make_async_copy(
            g_hbm.at[src_v.at[0]], rows_v.at[0], sem).start()

        def body(j, carry):
            pltpu.make_async_copy(
                g_hbm.at[src_v.at[0]], rows_v.at[0], sem).wait()

            @pl.when(j + 1 < _RPT)
            def _():
                pltpu.make_async_copy(
                    g_hbm.at[src_v.at[j + 1]],
                    rows_v.at[jnp.remainder(j + 1, 2)], sem).start()

            pltpu.sync_copy(rows_v.at[jnp.remainder(j, 2)],
                            acc.at[dst_v.at[j]], add=True)
            return carry

        lax.fori_loop(0, _RPT, body, 0, unroll=False)
        plsc.subcore_barrier()
        pltpu.sync_copy(acc.at[pl.ds(r0, _NPT)],
                        out_hbm.at[pl.ds(c * _NPAD + r0, _NPT)])

    return _sc_degree, _sc_scatter


def _leaky(v):
    return jnp.where(v >= 0, v, 0.01 * v)


def _tc_matmul(xs, ws, deg):
    blk = 2000
    nb = _N // blk

    def body(x_ref, w_ref, d_ref, o_ref):
        dinv = lax.rsqrt(d_ref[0, :, 0:1] + 1.0)
        h = lax.dot_general(x_ref[0], w_ref[0, 0], (((1,), (1,)), ((), ())),
                            preferred_element_type=jnp.float32,
                            precision=lax.Precision.HIGHEST)
        o_ref[0, 0] = h * dinv

    return pl.pallas_call(
        body,
        grid=(2, 2, nb),
        in_specs=[
            pl.BlockSpec((1, blk, _D), lambda k, c, i: (c, i, 0)),
            pl.BlockSpec((1, 1, _DH, _D), lambda k, c, i: (c, k, 0, 0)),
            pl.BlockSpec((1, blk, _DEGW), lambda k, c, i: (c, i, 0)),
        ],
        out_specs=pl.BlockSpec((1, 1, blk, _DH), lambda k, c, i: (k, c, i, 0)),
        out_shape=jax.ShapeDtypeStruct((2, 2, _N, _DH), jnp.float32),
    )(xs, ws.reshape(2, 2, _DH, _D), deg)


def _tc_pool(s_lo, s_hi, g_nodes, deg, batch, bias):
    blk = 2000
    nb = _N // blk

    def body(slo_ref, shi_ref, glo_ref, ghi_ref, d_ref, b_ref, bias_ref,
             sum_ref, cnt_ref):
        i = pl.program_id(1)
        dinv = lax.rsqrt(d_ref[0, :, 0:1] + 1.0)
        tot = jnp.concatenate(
            [slo_ref[0] + glo_ref[0, 0], shi_ref[0] + ghi_ref[0, 0]], axis=1)
        node = _leaky(tot * dinv + bias_ref[0])
        bt = b_ref[0, :, 0]
        oh = (bt[:, None] == lax.broadcasted_iota(jnp.int32, (blk, _B), 1)
              ).astype(jnp.float32)
        bsum = lax.dot_general(oh, node, (((0,), (0,)), ((), ())),
                               preferred_element_type=jnp.float32,
                            precision=lax.Precision.HIGHEST)
        bcnt = lax.dot_general(oh, jnp.ones((blk, _D), jnp.float32),
                               (((0,), (0,)), ((), ())),
                               preferred_element_type=jnp.float32,
                            precision=lax.Precision.HIGHEST)

        @pl.when(i == 0)
        def _():
            sum_ref[0] = bsum
            cnt_ref[0] = bcnt

        @pl.when(i != 0)
        def _():
            sum_ref[0] += bsum
            cnt_ref[0] += bcnt

    return pl.pallas_call(
        body,
        grid=(2, nb),
        in_specs=[
            pl.BlockSpec((1, blk, _DH), lambda c, i: (c, i, 0)),
            pl.BlockSpec((1, blk, _DH), lambda c, i: (c, i, 0)),
            pl.BlockSpec((1, 1, blk, _DH), lambda c, i: (0, c, i, 0)),
            pl.BlockSpec((1, 1, blk, _DH), lambda c, i: (1, c, i, 0)),
            pl.BlockSpec((1, blk, _DEGW), lambda c, i: (c, i, 0)),
            pl.BlockSpec((1, blk, 1), lambda c, i: (c, i, 0)),
            pl.BlockSpec((1, 1, _D), lambda c, i: (c, 0, 0)),
        ],
        out_specs=[
            pl.BlockSpec((1, _B, _D), lambda c, i: (c, 0, 0)),
            pl.BlockSpec((1, _B, _D), lambda c, i: (c, 0, 0)),
        ],
        out_shape=[
            jax.ShapeDtypeStruct((2, _B, _D), jnp.float32),
            jax.ShapeDtypeStruct((2, _B, _D), jnp.float32),
        ],
    )(s_lo, s_hi, g_nodes, g_nodes, deg, batch, bias)


def _tc_tail(sums, cnts, m1s, m1f, m2s, m2f, p1W, p1b, p2W, p2b,
             f1W, f1b, f2W, f2b, mf1W, mf1b, mf2W, mf2b, oW, ob, msc):

    def body(sum_ref, cnt_ref, m1s_ref, m1f_ref, m2s_ref, m2f_ref,
             p1W_ref, p1b_ref, p2W_ref, p2b_ref, f1W_ref, f1b_ref,
             f2W_ref, f2b_ref, mf1W_ref, mf1b_ref, mf2W_ref, mf2b_ref,
             oW_ref, ob_ref, msc_ref, out_ref):
        def matT(a, w_ref):
            return lax.dot_general(a, w_ref[...], (((1,), (1,)), ((), ())),
                                   preferred_element_type=jnp.float32,
                            precision=lax.Precision.HIGHEST)

        mean1 = sum_ref[0] / jnp.maximum(cnt_ref[0], 1.0)
        mean2 = sum_ref[1] / jnp.maximum(cnt_ref[1], 1.0)
        x1 = _leaky(matT(mean1, p1W_ref) + p1b_ref[...])
        x2 = _leaky(matT(mean2, p2W_ref) + p2b_ref[...])
        xc = jnp.concatenate([x1, x2], axis=1)
        xc = _leaky(matT(xc, f1W_ref) + f1b_ref[...])
        xc = _leaky(matT(xc, f2W_ref) + f2b_ref[...])

        ii = lax.broadcasted_iota(jnp.int32, (_L, _L // 5), 0)
        jj = lax.broadcasted_iota(jnp.int32, (_L, _L // 5), 1)
        P = jnp.where(ii // 5 == jj, 0.1, 0.0).astype(jnp.float32)

        def masif(st_ref, fl_ref, k0, mfW_ref, mfb_ref):
            st = st_ref[:, 0, :]
            fl = fl_ref[:, 0, :]
            for k in range(1, _C):
                st = st + st_ref[:, k, :]
                fl = fl + fl_ref[:, k, :]
            st = jnp.maximum(st * (msc_ref[0, k0] / _C) + msc_ref[0, k0 + 1], 0.0)
            fl = jnp.maximum(fl * (msc_ref[0, k0 + 2] / _C) + msc_ref[0, k0 + 3], 0.0)
            m = lax.dot_general(st + fl, P, (((1,), (0,)), ((), ())),
                                preferred_element_type=jnp.float32,
                            precision=lax.Precision.HIGHEST)
            return matT(m, mfW_ref) + mfb_ref[...]

        m1 = masif(m1s_ref, m1f_ref, 0, mf1W_ref, mf1b_ref)
        m2 = masif(m2s_ref, m2f_ref, 4, mf2W_ref, mf2b_ref)
        xcat = jnp.concatenate([xc, m1, m2], axis=1)
        logits = jnp.sum(xcat * oW_ref[0][None, :], axis=1,
                         keepdims=True) + ob_ref[0, 0]
        out_ref[...] = 1.0 / (1.0 + jnp.exp(-logits))

    return pl.pallas_call(
        body,
        out_shape=jax.ShapeDtypeStruct((_B, 1), jnp.float32),
    )(sums, cnts, m1s, m1f, m2s, m2f, p1W, p1b, p2W, p2b,
      f1W, f1b, f2W, f2b, mf1W, mf1b, mf2W, mf2b, oW, ob, msc)


def kernel(pro1_x, pro1_edge_index, pro1_batch, pro2_x, pro2_edge_index,
           pro2_batch, mas1_straight, mas1_flipped, mas2_straight,
           mas2_flipped, conv1_W, conv1_b, pro1_fc1_W, pro1_fc1_b, conv2_W,
           conv2_b, pro2_fc1_W, pro2_fc1_b, fc1_W, fc1_b, fc2_W, fc2_b,
           ms1s_w, ms1s_b, ms1f_w, ms1f_b, ms2s_w, ms2s_b, ms2f_w, ms2f_b,
           mfc1_W, mfc1_b, mfc2_W, mfc2_b, out_W, out_b):
    f32 = jnp.float32
    i32 = jnp.int32
    e1 = pro1_edge_index.astype(i32)
    e2 = pro2_edge_index.astype(i32)
    src = jnp.stack([e1[0], e2[0] + _N]).reshape(2 * _NT, _RPT, _EK)
    dst = jnp.stack([e1[1], e2[1]]).reshape(2 * _NT, _RPT, _EK)
    xs = jnp.stack([pro1_x, pro2_x]).astype(f32)
    ws = jnp.stack([conv1_W, conv2_W]).astype(f32)
    batch = jnp.stack([pro1_batch.astype(i32), pro2_batch.astype(i32)]
                      ).reshape(2, _N, 1)
    bias = jnp.stack([conv1_b, conv2_b]).astype(f32).reshape(2, 1, _D)
    ones_pat = jnp.zeros((_EK, _DEGW), f32).at[:, 0].set(1.0)
    zeros16 = jnp.zeros((_NPAD, _DEGW), f32)
    zeros_h = jnp.zeros((_NPAD, _DH), f32)

    sc_degree, sc_scatter = _sc_kernels()
    deg = sc_degree(dst, ones_pat, zeros16).reshape(2, _NPAD, _DEGW)
    g = _tc_matmul(xs, ws, deg)
    s_lo = sc_scatter(g[0].reshape(2 * _N, _DH), src, dst,
                      zeros_h).reshape(2, _NPAD, _DH)
    s_hi = sc_scatter(g[1].reshape(2 * _N, _DH), src, dst,
                      zeros_h).reshape(2, _NPAD, _DH)
    sums, cnts = _tc_pool(s_lo, s_hi, g, deg, batch, bias)

    msc = jnp.stack([ms1s_w, ms1s_b, ms1f_w, ms1f_b,
                     ms2s_w, ms2s_b, ms2f_w, ms2f_b]).astype(f32).reshape(1, 8)
    out = _tc_tail(
        sums, cnts, mas1_straight, mas1_flipped, mas2_straight, mas2_flipped,
        pro1_fc1_W, pro1_fc1_b.reshape(1, -1), pro2_fc1_W,
        pro2_fc1_b.reshape(1, -1), fc1_W, fc1_b.reshape(1, -1), fc2_W,
        fc2_b.reshape(1, -1), mfc1_W, mfc1_b.reshape(1, -1), mfc2_W,
        mfc2_b.reshape(1, -1), out_W, out_b.reshape(1, 1), msc)
    return out

# --- scband reference (transcript-rebuilt; emitter-appended) ---
"""Pipeline reference for scband-gcnn-87668872446200 (READ-ONLY COPY).

The authoritative reference and input builder live on the scoring server;
editing this copy changes nothing except your own understanding.
"""

import jax, jax.numpy as jnp
import numpy as np

N = 10000
E = 320000
D = 128
OD = 128
B = 64
C = 16
L = 400


def setup_inputs(seed: int = 0):
    key = jax.random.key(seed)
    ks = jax.random.split(key, 32)
    s = 0.05
    inp = {}
    inp['pro1_x'] = jax.random.normal(ks[0], (N, D), jnp.float32)
    inp['pro1_edge_index'] = jax.random.randint(ks[1], (2, E), 0, N)
    inp['pro1_batch'] = jnp.sort(jax.random.randint(ks[2], (N,), 0, B))
    inp['pro2_x'] = jax.random.normal(ks[3], (N, D), jnp.float32)
    inp['pro2_edge_index'] = jax.random.randint(ks[4], (2, E), 0, N)
    inp['pro2_batch'] = jnp.sort(jax.random.randint(ks[5], (N,), 0, B))
    inp['mas1_straight'] = jax.random.normal(ks[6], (B, C, L), jnp.float32)
    inp['mas1_flipped'] = jax.random.normal(ks[7], (B, C, L), jnp.float32)
    inp['mas2_straight'] = jax.random.normal(ks[8], (B, C, L), jnp.float32)
    inp['mas2_flipped'] = jax.random.normal(ks[9], (B, C, L), jnp.float32)
    inp['conv1_W'] = jax.random.normal(ks[10], (D, D), jnp.float32) * s
    inp['conv1_b'] = jnp.zeros((D,), jnp.float32)
    inp['pro1_fc1_W'] = jax.random.normal(ks[11], (OD, D), jnp.float32) * s
    inp['pro1_fc1_b'] = jnp.zeros((OD,), jnp.float32)
    inp['conv2_W'] = jax.random.normal(ks[12], (D, D), jnp.float32) * s
    inp['conv2_b'] = jnp.zeros((D,), jnp.float32)
    inp['pro2_fc1_W'] = jax.random.normal(ks[13], (OD, D), jnp.float32) * s
    inp['pro2_fc1_b'] = jnp.zeros((OD,), jnp.float32)
    inp['fc1_W'] = jax.random.normal(ks[14], (256, 2 * OD), jnp.float32) * s
    inp['fc1_b'] = jnp.zeros((256,), jnp.float32)
    inp['fc2_W'] = jax.random.normal(ks[15], (64, 256), jnp.float32) * s
    inp['fc2_b'] = jnp.zeros((64,), jnp.float32)
    inp['ms1s_w'] = jax.random.normal(ks[16], (), jnp.float32)
    inp['ms1s_b'] = jax.random.normal(ks[17], (), jnp.float32) * s
    inp['ms1f_w'] = jax.random.normal(ks[18], (), jnp.float32)
    inp['ms1f_b'] = jax.random.normal(ks[19], (), jnp.float32) * s
    inp['ms2s_w'] = jax.random.normal(ks[20], (), jnp.float32)
    inp['ms2s_b'] = jax.random.normal(ks[21], (), jnp.float32) * s
    inp['ms2f_w'] = jax.random.normal(ks[22], (), jnp.float32)
    inp['ms2f_b'] = jax.random.normal(ks[23], (), jnp.float32) * s
    inp['mfc1_W'] = jax.random.normal(ks[24], (64, 80), jnp.float32) * s
    inp['mfc1_b'] = jnp.zeros((64,), jnp.float32)
    inp['mfc2_W'] = jax.random.normal(ks[25], (64, 80), jnp.float32) * s
    inp['mfc2_b'] = jnp.zeros((64,), jnp.float32)
    inp['out_W'] = jax.random.normal(ks[26], (1, 192), jnp.float32) * s
    inp['out_b'] = jnp.zeros((1,), jnp.float32)
    return inp


def _leaky(v):
    return jnp.where(v >= 0, v, 0.01 * v)


def _gcn_conv(x, edge_index, W, b):
    n = x.shape[0]
    loop = jnp.arange(n)
    src = jnp.concatenate([edge_index[0], loop])
    dst = jnp.concatenate([edge_index[1], loop])
    deg = jnp.zeros((n,), x.dtype).at[dst].add(1.0)
    dinv = jax.lax.rsqrt(jnp.clip(deg, 1.0, None))
    norm = dinv[src] * dinv[dst]
    h = x @ W.T
    msg = h[src] * norm[:, None]
    out = jnp.zeros_like(h).at[dst].add(msg)
    return out + b


def _gmp(x, batch, num_graphs):
    ssum = jax.ops.segment_sum(x, batch, num_segments=num_graphs)
    cnt = jax.ops.segment_sum(jnp.ones((x.shape[0],), x.dtype), batch, num_segments=num_graphs)
    return ssum / jnp.clip(cnt, 1.0, None)[:, None]


def _masif(st, fl, ws, bs, wf, bf, fcW, fcb):
    st = st.mean(axis=1, keepdims=True)
    st = jax.nn.relu(st * ws + bs)
    fl = fl.mean(axis=1, keepdims=True)
    fl = jax.nn.relu(fl * wf + bf)
    m = jnp.concatenate([st, fl], axis=1)
    b = m.shape[0]
    m = m.reshape(b, 2, 80, m.shape[2] // 80).mean(axis=3)
    m = m.mean(axis=1)
    return m @ fcW.T + fcb


def reference(pro1_x, pro1_edge_index, pro1_batch, pro2_x, pro2_edge_index, pro2_batch, mas1_straight, mas1_flipped, mas2_straight, mas2_flipped, conv1_W, conv1_b, pro1_fc1_W, pro1_fc1_b, conv2_W, conv2_b, pro2_fc1_W, pro2_fc1_b, fc1_W, fc1_b, fc2_W, fc2_b, ms1s_w, ms1s_b, ms1f_w, ms1f_b, ms2s_w, ms2s_b, ms2f_w, ms2f_b, mfc1_W, mfc1_b, mfc2_W, mfc2_b, out_W, out_b):
    x = _leaky(_gcn_conv(pro1_x, pro1_edge_index, conv1_W, conv1_b))
    x = _gmp(x, pro1_batch, B)
    x = _leaky(x @ pro1_fc1_W.T + pro1_fc1_b)
    xt = _leaky(_gcn_conv(pro2_x, pro2_edge_index, conv2_W, conv2_b))
    xt = _gmp(xt, pro2_batch, B)
    xt = _leaky(xt @ pro2_fc1_W.T + pro2_fc1_b)
    xc = jnp.concatenate([x, xt], axis=1)
    xc = _leaky(xc @ fc1_W.T + fc1_b)
    xc = _leaky(xc @ fc2_W.T + fc2_b)
    m1 = _masif(mas1_straight, mas1_flipped, ms1s_w, ms1s_b, ms1f_w, ms1f_b, mfc1_W, mfc1_b)
    m2 = _masif(mas2_straight, mas2_flipped, ms2s_w, ms2s_b, ms2f_w, ms2f_b, mfc2_W, mfc2_b)
    xc = jnp.concatenate([xc, m1, m2], axis=1)
    return jax.nn.sigmoid(xc @ out_W.T + out_b)

if __name__ == "__main__":
    import jax
    _d = setup_inputs()
    print(jax.jit(kernel)(*tuple(_d.values())))

</pallas_src>

<mosaic_0001>
#map = affine_map<(d0, d1) -> (0, 0, 0)>
#map1 = affine_map<(d0, d1) -> (0, 0)>
module attributes {stable_mosaic.version = 14 : i64} {
  func.func @_sc_degree(%arg0: i32, %arg1: i32, %arg2: memref<32x250x80xi32, #tpu.memory_space<hbm>>, %arg3: memref<80x64xf32, #tpu.memory_space<hbm>>, %arg4: memref<10240x64xf32, #tpu.memory_space<hbm>>, %arg5: memref<20480x64xf32, #tpu.memory_space<hbm>>, %arg6: memref<250x80xi32, #tpu.memory_space<vmem>>, %arg7: memref<80x64xf32, #tpu.memory_space<vmem>>, %arg8: memref<10240x64xf32, #tpu.memory_space<vmem_shared>>) attributes {dimension_semantics = [#tpu.dimension_semantics<core_parallel>, #tpu.dimension_semantics<subcore_parallel>], iteration_bounds = array<i64: 2, 16>, scalar_prefetch = 0 : i64, scratch_operands = 3 : i64, tpu.core_type = #tpu.core_type<sc_vector_subcore>, window_params = [{transform_indices = #map}, {transform_indices = #map1}, {transform_indices = #map1}, {transform_indices = #map1}]} {
    "tpu.region"() ({
      %run_scoped3A = tpu.sem_alloc : memref<!tpu.dma_semaphore, #tpu.memory_space<semaphore_mem>>
      tpu.enqueue_dma source(%arg3 : memref<80x64xf32, #tpu.memory_space<hbm>>) target(%arg7 : memref<80x64xf32, #tpu.memory_space<vmem>>) target_semaphore(%run_scoped3A : memref<!tpu.dma_semaphore, #tpu.memory_space<semaphore_mem>>)
      tpu.wait_dma2 semaphore(%run_scoped3A : memref<!tpu.dma_semaphore, #tpu.memory_space<semaphore_mem>>) src(%arg3 : memref<80x64xf32, #tpu.memory_space<hbm>>) dst(%arg7 : memref<80x64xf32, #tpu.memory_space<vmem>>)
      tpu.yield
    }) : () -> ()
    %mul3A = arith.constant 640 : i32
    %mul3A_0 = arith.muli %arg1, %mul3A : i32
    "tpu.region"() ({
      %run_scoped3A = tpu.sem_alloc : memref<!tpu.dma_semaphore, #tpu.memory_space<semaphore_mem>>
      %dma_start3A = arith.constant 0 : i32
      %dma_start3A_12 = tpu.memref_slice %arg8[%mul3A_0, %dma_start3A] : memref<10240x64xf32, #tpu.memory_space<vmem_shared>> -> memref<640x64xf32, #tpu.memory_space<vmem_shared>>
      %dma_start3A_13 = arith.constant 0 : i32
      %dma_start3A_14 = tpu.memref_slice %arg4[%mul3A_0, %dma_start3A_13] : memref<10240x64xf32, #tpu.memory_space<hbm>> -> memref<640x64xf32, #tpu.memory_space<hbm>>
      tpu.enqueue_dma source(%dma_start3A_14 : memref<640x64xf32, #tpu.memory_space<hbm>>) target(%dma_start3A_12 : memref<640x64xf32, #tpu.memory_space<vmem_shared>>) target_semaphore(%run_scoped3A : memref<!tpu.dma_semaphore, #tpu.memory_space<semaphore_mem>>)
      %dma_wait3A = arith.constant 0 : i32
      %dma_wait3A_15 = tpu.memref_slice %arg8[%mul3A_0, %dma_wait3A] : memref<10240x64xf32, #tpu.memory_space<vmem_shared>> -> memref<640x64xf32, #tpu.memory_space<vmem_shared>>
      %dma_wait3A_16 = arith.constant 0 : i32
      %dma_wait3A_17 = tpu.memref_slice %arg4[%mul3A_0, %dma_wait3A_16] : memref<10240x64xf32, #tpu.memory_space<hbm>> -> memref<640x64xf32, #tpu.memory_space<hbm>>
      tpu.wait_dma2 semaphore(%run_scoped3A : memref<!tpu.dma_semaphore, #tpu.memory_space<semaphore_mem>>) src(%dma_wait3A_17 : memref<640x64xf32, #tpu.memory_space<hbm>>) dst(%dma_wait3A_15 : memref<640x64xf32, #tpu.memory_space<vmem_shared>>)
      tpu.yield
    }) : () -> ()
    %mul3A_1 = arith.constant 16 : i32
    %mul3A_2 = arith.muli %arg0, %mul3A_1 : i32
    %add3A = arith.addi %mul3A_2, %arg1 : i32
    "tpu.region"() ({
      %run_scoped3A = tpu.sem_alloc : memref<!tpu.dma_semaphore, #tpu.memory_space<semaphore_mem>>
      %dma_start3A = arith.constant 0 : i32
      %dma_start3A_12 = arith.constant 0 : i32
      %dma_start3A_13 = tpu.memref_slice %arg2[%add3A, %dma_start3A, %dma_start3A_12] : memref<32x250x80xi32, #tpu.memory_space<hbm>> -> memref<1x250x80xi32, #tpu.memory_space<hbm>>
      %dma_start3A_14 = tpu.memref_squeeze %dma_start3A_13 : memref<1x250x80xi32, #tpu.memory_space<hbm>> -> memref<250x80xi32, #tpu.memory_space<hbm>>
      %dma_start3A_15 = arith.constant 0 : i32
      %dma_start3A_16 = arith.constant 0 : i32
      %dma_start3A_17 = tpu.memref_slice %arg2[%add3A, %dma_start3A_15, %dma_start3A_16] : memref<32x250x80xi32, #tpu.memory_space<hbm>> -> memref<1x250x80xi32, #tpu.memory_space<hbm>>
      %dma_start3A_18 = tpu.memref_squeeze %dma_start3A_17 : memref<1x250x80xi32, #tpu.memory_space<hbm>> -> memref<250x80xi32, #tpu.memory_space<hbm>>
      tpu.enqueue_dma source(%dma_start3A_18 : memref<250x80xi32, #tpu.memory_space<hbm>>) target(%arg6 : memref<250x80xi32, #tpu.memory_space<vmem>>) target_semaphore(%run_scoped3A : memref<!tpu.dma_semaphore, #tpu.memory_space<semaphore_mem>>)
      %dma_wait3A = arith.constant 0 : i32
      %dma_wait3A_19 = arith.constant 0 : i32
      %dma_wait3A_20 = tpu.memref_slice %arg2[%add3A, %dma_wait3A, %dma_wait3A_19] : memref<32x250x80xi32, #tpu.memory_space<hbm>> -> memref<1x250x80xi32, #tpu.memory_space<hbm>>
      %dma_wait3A_21 = tpu.memref_squeeze %dma_wait3A_20 : memref<1x250x80xi32, #tpu.memory_space<hbm>> -> memref<250x80xi32, #tpu.memory_space<hbm>>
      %dma_wait3A_22 = arith.constant 0 : i32
      %dma_wait3A_23 = arith.constant 0 : i32
      %dma_wait3A_24 = tpu.memref_slice %arg2[%add3A, %dma_wait3A_22, %dma_wait3A_23] : memref<32x250x80xi32, #tpu.memory_space<hbm>> -> memref<1x250x80xi32, #tpu.memory_space<hbm>>
      %dma_wait3A_25 = tpu.memref_squeeze %dma_wait3A_24 : memref<1x250x80xi32, #tpu.memory_space<hbm>> -> memref<250x80xi32, #tpu.memory_space<hbm>>
      tpu.wait_dma2 semaphore(%run_scoped3A : memref<!tpu.dma_semaphore, #tpu.memory_space<semaphore_mem>>) src(%dma_wait3A_25 : memref<250x80xi32, #tpu.memory_space<hbm>>) dst(%arg6 : memref<250x80xi32, #tpu.memory_space<vmem>>)
      tpu.yield
    }) : () -> ()
    %barrier3A = arith.constant 0 : index
    tpu.barrier barrier_id(%barrier3A)
    %scan3A = arith.constant 0 : i32
    %scan3A_3 = arith.constant 0 : i32
    %scan3A_4 = arith.constant 250 : i32
    %scan3A_5 = arith.addi %scan3A_3, %scan3A_4 : i32
    %scan3A_6 = arith.constant 1 : i32
    scf.for %scan3A_12 = %scan3A_3 to %scan3A_5 step %scan3A_6  : i32 {
      "tpu.region"() ({
        %run_scoped3A = tpu.sem_alloc : memref<!tpu.dma_semaphore, #tpu.memory_space<semaphore_mem>>
        %dma_start3A = arith.constant 0 : i32
        %dma_start3A_13 = tpu.memref_slice %arg6[%scan3A_12, %dma_start3A] : memref<250x80xi32, #tpu.memory_space<vmem>> -> memref<1x80xi32, #tpu.memory_space<vmem>>
        %dma_start3A_14 = tpu.memref_squeeze %dma_start3A_13 : memref<1x80xi32, #tpu.memory_space<vmem>> -> memref<80xi32, #tpu.memory_space<vmem>>
        %dma_start3A_15 = arith.constant 0 : i32
        %dma_start3A_16 = arith.constant 0 : i32
        %dma_start3A_17 = tpu.memref_slice %arg8[%dma_start3A_15, %dma_start3A_16] : memref<10240x64xf32, #tpu.memory_space<vmem_shared>> -> memref<10240x64xf32, #tpu.memory_space<vmem_shared>>
        tpu.enqueue_indirect_dma source(%arg7 : memref<80x64xf32, #tpu.memory_space<vmem>>) target(%dma_start3A_17 : memref<10240x64xf32, #tpu.memory_space<vmem_shared>>) offsets(%dma_start3A_14 : memref<80xi32, #tpu.memory_space<vmem>>) semaphore(%run_scoped3A : memref<!tpu.dma_semaphore, #tpu.memory_space<semaphore_mem>>) {add = true}
        %dma_wait3A = arith.constant 0 : i32
        %dma_wait3A_18 = tpu.memref_slice %arg6[%scan3A_12, %dma_wait3A] : memref<250x80xi32, #tpu.memory_space<vmem>> -> memref<1x80xi32, #tpu.memory_space<vmem>>
        %dma_wait3A_19 = tpu.memref_squeeze %dma_wait3A_18 : memref<1x80xi32, #tpu.memory_space<vmem>> -> memref<80xi32, #tpu.memory_space<vmem>>
        %dma_wait3A_20 = arith.constant 0 : i32
        %dma_wait3A_21 = arith.constant 0 : i32
        %dma_wait3A_22 = tpu.memref_slice %arg8[%dma_wait3A_20, %dma_wait3A_21] : memref<10240x64xf32, #tpu.memory_space<vmem_shared>> -> memref<10240x64xf32, #tpu.memory_space<vmem_shared>>
        tpu.wait_indirect_dma semaphore(%run_scoped3A : memref<!tpu.dma_semaphore, #tpu.memory_space<semaphore_mem>>) src(%arg7 : memref<80x64xf32, #tpu.memory_space<vmem>>) dst(%dma_wait3A_22 : memref<10240x64xf32, #tpu.memory_space<vmem_shared>>)
        tpu.yield
      }) : () -> ()
    }
    %scan3A_7 = arith.constant 250 : i32
    %barrier3A_8 = arith.constant 0 : index
    tpu.barrier barrier_id(%barrier3A_8)
    %mul3A_9 = arith.constant 10240 : i32
    %mul3A_10 = arith.muli %arg0, %mul3A_9 : i32
    %add3A_11 = arith.addi %mul3A_10, %mul3A_0 : i32
    "tpu.region"() ({
      %run_scoped3A = tpu.sem_alloc : memref<!tpu.dma_semaphore, #tpu.memory_space<semaphore_mem>>
      %dma_start3A = arith.constant 0 : i32
      %dma_start3A_12 = tpu.memref_slice %arg5[%add3A_11, %dma_start3A] : memref<20480x64xf32, #tpu.memory_space<hbm>> -> memref<640x64xf32, #tpu.memory_space<hbm>>
      %dma_start3A_13 = arith.constant 0 : i32
      %dma_start3A_14 = tpu.memref_slice %arg8[%mul3A_0, %dma_start3A_13] : memref<10240x64xf32, #tpu.memory_space<vmem_shared>> -> memref<640x64xf32, #tpu.memory_space<vmem_shared>>
      tpu.enqueue_dma source(%dma_start3A_14 : memref<640x64xf32, #tpu.memory_space<vmem_shared>>) target(%dma_start3A_12 : memref<640x64xf32, #tpu.memory_space<hbm>>) target_semaphore(%run_scoped3A : memref<!tpu.dma_semaphore, #tpu.memory_space<semaphore_mem>>)
      %dma_wait3A = arith.constant 0 : i32
      %dma_wait3A_15 = tpu.memref_slice %arg5[%add3A_11, %dma_wait3A] : memref<20480x64xf32, #tpu.memory_space<hbm>> -> memref<640x64xf32, #tpu.memory_space<hbm>>
      %dma_wait3A_16 = arith.constant 0 : i32
      %dma_wait3A_17 = tpu.memref_slice %arg8[%mul3A_0, %dma_wait3A_16] : memref<10240x64xf32, #tpu.memory_space<vmem_shared>> -> memref<640x64xf32, #tpu.memory_space<vmem_shared>>
      tpu.wait_dma2 semaphore(%run_scoped3A : memref<!tpu.dma_semaphore, #tpu.memory_space<semaphore_mem>>) src(%dma_wait3A_17 : memref<640x64xf32, #tpu.memory_space<vmem_shared>>) dst(%dma_wait3A_15 : memref<640x64xf32, #tpu.memory_space<hbm>>)
      tpu.yield
    }) : () -> ()
    return
  }
}

#map = affine_map<(d0, d1) -> (0, 0)>
#map1 = affine_map<(d0, d1) -> (0, 0, 0)>
module attributes {stable_mosaic.version = 14 : i64} {
  func.func @_sc_scatter(%arg0: i32, %arg1: i32, %arg2: memref<20000x64xf32, #tpu.memory_space<hbm>>, %arg3: memref<32x250x80xi32, #tpu.memory_space<hbm>>, %arg4: memref<32x250x80xi32, #tpu.memory_space<hbm>>, %arg5: memref<10240x64xf32, #tpu.memory_space<hbm>>, %arg6: memref<20480x64xf32, #tpu.memory_space<hbm>>, %arg7: memref<250x80xi32, #tpu.memory_space<vmem>>, %arg8: memref<250x80xi32, #tpu.memory_space<vmem>>, %arg9: memref<2x80x64xf32, #tpu.memory_space<vmem>>, %arg10: memref<10240x64xf32, #tpu.memory_space<vmem_shared>>, %arg11: memref<!tpu.dma_semaphore, #tpu.memory_space<semaphore_mem>>) attributes {dimension_semantics = [#tpu.dimension_semantics<core_parallel>, #tpu.dimension_semantics<subcore_parallel>], iteration_bounds = array<i64: 2, 16>, scalar_prefetch = 0 : i64, scratch_operands = 5 : i64, tpu.core_type = #tpu.core_type<sc_vector_subcore>, window_params = [{transform_indices = #map}, {transform_indices = #map1}, {transform_indices = #map1}, {transform_indices = #map}, {transform_indices = #map}]} {
    %mul3A = arith.constant 640 : i32
    %mul3A_0 = arith.muli %arg1, %mul3A : i32
    "tpu.region"() ({
      %run_scoped3A = tpu.sem_alloc : memref<!tpu.dma_semaphore, #tpu.memory_space<semaphore_mem>>
      %dma_start3A_26 = arith.constant 0 : i32
      %dma_start3A_27 = tpu.memref_slice %arg10[%mul3A_0, %dma_start3A_26] : memref<10240x64xf32, #tpu.memory_space<vmem_shared>> -> memref<640x64xf32, #tpu.memory_space<vmem_shared>>
      %dma_start3A_28 = arith.constant 0 : i32
      %dma_start3A_29 = tpu.memref_slice %arg5[%mul3A_0, %dma_start3A_28] : memref<10240x64xf32, #tpu.memory_space<hbm>> -> memref<640x64xf32, #tpu.memory_space<hbm>>
      tpu.enqueue_dma source(%dma_start3A_29 : memref<640x64xf32, #tpu.memory_space<hbm>>) target(%dma_start3A_27 : memref<640x64xf32, #tpu.memory_space<vmem_shared>>) target_semaphore(%run_scoped3A : memref<!tpu.dma_semaphore, #tpu.memory_space<semaphore_mem>>)
      %dma_wait3A = arith.constant 0 : i32
      %dma_wait3A_30 = tpu.memref_slice %arg10[%mul3A_0, %dma_wait3A] : memref<10240x64xf32, #tpu.memory_space<vmem_shared>> -> memref<640x64xf32, #tpu.memory_space<vmem_shared>>
      %dma_wait3A_31 = arith.constant 0 : i32
      %dma_wait3A_32 = tpu.memref_slice %arg5[%mul3A_0, %dma_wait3A_31] : memref<10240x64xf32, #tpu.memory_space<hbm>> -> memref<640x64xf32, #tpu.memory_space<hbm>>
      tpu.wait_dma2 semaphore(%run_scoped3A : memref<!tpu.dma_semaphore, #tpu.memory_space<semaphore_mem>>) src(%dma_wait3A_32 : memref<640x64xf32, #tpu.memory_space<hbm>>) dst(%dma_wait3A_30 : memref<640x64xf32, #tpu.memory_space<vmem_shared>>)
      tpu.yield
    }) : () -> ()
    %mul3A_1 = arith.constant 16 : i32
    %mul3A_2 = arith.muli %arg0, %mul3A_1 : i32
    %add3A = arith.addi %mul3A_2, %arg1 : i32
    "tpu.region"() ({
      %run_scoped3A = tpu.sem_alloc : memref<!tpu.dma_semaphore, #tpu.memory_space<semaphore_mem>>
      %dma_start3A_26 = arith.constant 0 : i32
      %dma_start3A_27 = arith.constant 0 : i32
      %dma_start3A_28 = tpu.memref_slice %arg3[%add3A, %dma_start3A_26, %dma_start3A_27] : memref<32x250x80xi32, #tpu.memory_space<hbm>> -> memref<1x250x80xi32, #tpu.memory_space<hbm>>
      %dma_start3A_29 = tpu.memref_squeeze %dma_start3A_28 : memref<1x250x80xi32, #tpu.memory_space<hbm>> -> memref<250x80xi32, #tpu.memory_space<hbm>>
      %dma_start3A_30 = arith.constant 0 : i32
      %dma_start3A_31 = arith.constant 0 : i32
      %dma_start3A_32 = tpu.memref_slice %arg3[%add3A, %dma_start3A_30, %dma_start3A_31] : memref<32x250x80xi32, #tpu.memory_space<hbm>> -> memref<1x250x80xi32, #tpu.memory_space<hbm>>
      %dma_start3A_33 = tpu.memref_squeeze %dma_start3A_32 : memref<1x250x80xi32, #tpu.memory_space<hbm>> -> memref<250x80xi32, #tpu.memory_space<hbm>>
      tpu.enqueue_dma source(%dma_start3A_33 : memref<250x80xi32, #tpu.memory_space<hbm>>) target(%arg7 : memref<250x80xi32, #tpu.memory_space<vmem>>) target_semaphore(%run_scoped3A : memref<!tpu.dma_semaphore, #tpu.memory_space<semaphore_mem>>)
      %dma_wait3A = arith.constant 0 : i32
      %dma_wait3A_34 = arith.constant 0 : i32
      %dma_wait3A_35 = tpu.memref_slice %arg3[%add3A, %dma_wait3A, %dma_wait3A_34] : memref<32x250x80xi32, #tpu.memory_space<hbm>> -> memref<1x250x80xi32, #tpu.memory_space<hbm>>
      %dma_wait3A_36 = tpu.memref_squeeze %dma_wait3A_35 : memref<1x250x80xi32, #tpu.memory_space<hbm>> -> memref<250x80xi32, #tpu.memory_space<hbm>>
      %dma_wait3A_37 = arith.constant 0 : i32
      %dma_wait3A_38 = arith.constant 0 : i32
      %dma_wait3A_39 = tpu.memref_slice %arg3[%add3A, %dma_wait3A_37, %dma_wait3A_38] : memref<32x250x80xi32, #tpu.memory_space<hbm>> -> memref<1x250x80xi32, #tpu.memory_space<hbm>>
      %dma_wait3A_40 = tpu.memref_squeeze %dma_wait3A_39 : memref<1x250x80xi32, #tpu.memory_space<hbm>> -> memref<250x80xi32, #tpu.memory_space<hbm>>
      tpu.wait_dma2 semaphore(%run_scoped3A : memref<!tpu.dma_semaphore, #tpu.memory_space<semaphore_mem>>) src(%dma_wait3A_40 : memref<250x80xi32, #tpu.memory_space<hbm>>) dst(%arg7 : memref<250x80xi32, #tpu.memory_space<vmem>>)
      tpu.yield
    }) : () -> ()
    %mul3A_3 = arith.constant 16 : i32
    %mul3A_4 = arith.muli %arg0, %mul3A_3 : i32
    %add3A_5 = arith.addi %mul3A_4, %arg1 : i32
    "tpu.region"() ({
      %run_scoped3A = tpu.sem_alloc : memref<!tpu.dma_semaphore, #tpu.memory_space<semaphore_mem>>
      %dma_start3A_26 = arith.constant 0 : i32
      %dma_start3A_27 = arith.constant 0 : i32
      %dma_start3A_28 = tpu.memref_slice %arg4[%add3A_5, %dma_start3A_26, %dma_start3A_27] : memref<32x250x80xi32, #tpu.memory_space<hbm>> -> memref<1x250x80xi32, #tpu.memory_space<hbm>>
      %dma_start3A_29 = tpu.memref_squeeze %dma_start3A_28 : memref<1x250x80xi32, #tpu.memory_space<hbm>> -> memref<250x80xi32, #tpu.memory_space<hbm>>
      %dma_start3A_30 = arith.constant 0 : i32
      %dma_start3A_31 = arith.constant 0 : i32
      %dma_start3A_32 = tpu.memref_slice %arg4[%add3A_5, %dma_start3A_30, %dma_start3A_31] : memref<32x250x80xi32, #tpu.memory_space<hbm>> -> memref<1x250x80xi32, #tpu.memory_space<hbm>>
      %dma_start3A_33 = tpu.memref_squeeze %dma_start3A_32 : memref<1x250x80xi32, #tpu.memory_space<hbm>> -> memref<250x80xi32, #tpu.memory_space<hbm>>
      tpu.enqueue_dma source(%dma_start3A_33 : memref<250x80xi32, #tpu.memory_space<hbm>>) target(%arg8 : memref<250x80xi32, #tpu.memory_space<vmem>>) target_semaphore(%run_scoped3A : memref<!tpu.dma_semaphore, #tpu.memory_space<semaphore_mem>>)
      %dma_wait3A = arith.constant 0 : i32
      %dma_wait3A_34 = arith.constant 0 : i32
      %dma_wait3A_35 = tpu.memref_slice %arg4[%add3A_5, %dma_wait3A, %dma_wait3A_34] : memref<32x250x80xi32, #tpu.memory_space<hbm>> -> memref<1x250x80xi32, #tpu.memory_space<hbm>>
      %dma_wait3A_36 = tpu.memref_squeeze %dma_wait3A_35 : memref<1x250x80xi32, #tpu.memory_space<hbm>> -> memref<250x80xi32, #tpu.memory_space<hbm>>
      %dma_wait3A_37 = arith.constant 0 : i32
      %dma_wait3A_38 = arith.constant 0 : i32
      %dma_wait3A_39 = tpu.memref_slice %arg4[%add3A_5, %dma_wait3A_37, %dma_wait3A_38] : memref<32x250x80xi32, #tpu.memory_space<hbm>> -> memref<1x250x80xi32, #tpu.memory_space<hbm>>
      %dma_wait3A_40 = tpu.memref_squeeze %dma_wait3A_39 : memref<1x250x80xi32, #tpu.memory_space<hbm>> -> memref<250x80xi32, #tpu.memory_space<hbm>>
      tpu.wait_dma2 semaphore(%run_scoped3A : memref<!tpu.dma_semaphore, #tpu.memory_space<semaphore_mem>>) src(%dma_wait3A_40 : memref<250x80xi32, #tpu.memory_space<hbm>>) dst(%arg8 : memref<250x80xi32, #tpu.memory_space<vmem>>)
      tpu.yield
    }) : () -> ()
    %barrier3A = arith.constant 0 : index
    tpu.barrier barrier_id(%barrier3A)
    %dma_start3A = arith.constant 0 : i32
    %dma_start3A_6 = arith.constant 0 : i32
    %dma_start3A_7 = arith.constant 0 : i32
    %dma_start3A_8 = arith.constant 0 : i32
    %dma_start3A_9 = tpu.memref_slice %arg9[%dma_start3A_6, %dma_start3A_7, %dma_start3A_8] : memref<2x80x64xf32, #tpu.memory_space<vmem>> -> memref<1x80x64xf32, #tpu.memory_space<vmem>>
    %dma_start3A_10 = tpu.memref_squeeze %dma_start3A_9 : memref<1x80x64xf32, #tpu.memory_space<vmem>> -> memref<80x64xf32, #tpu.memory_space<vmem>>
    %dma_start3A_11 = arith.constant 0 : i32
    %dma_start3A_12 = tpu.memref_slice %arg7[%dma_start3A, %dma_start3A_11] : memref<250x80xi32, #tpu.memory_space<vmem>> -> memref<1x80xi32, #tpu.memory_space<vmem>>
    %dma_start3A_13 = tpu.memref_squeeze %dma_start3A_12 : memref<1x80xi32, #tpu.memory_space<vmem>> -> memref<80xi32, #tpu.memory_space<vmem>>
    %dma_start3A_14 = arith.constant 0 : i32
    %dma_start3A_15 = arith.constant 0 : i32
    %dma_start3A_16 = tpu.memref_slice %arg2[%dma_start3A_14, %dma_start3A_15] : memref<20000x64xf32, #tpu.memory_space<hbm>> -> memref<20000x64xf32, #tpu.memory_space<hbm>>
    tpu.enqueue_indirect_dma source(%dma_start3A_16 : memref<20000x64xf32, #tpu.memory_space<hbm>>) target(%dma_start3A_10 : memref<80x64xf32, #tpu.memory_space<vmem>>) offsets(%dma_start3A_13 : memref<80xi32, #tpu.memory_space<vmem>>) semaphore(%arg11 : memref<!tpu.dma_semaphore, #tpu.memory_space<semaphore_mem>>)
    %scan3A = arith.constant 0 : i32
    %scan3A_17 = arith.constant 0 : i32
    %scan3A_18 = arith.constant 250 : i32
    %scan3A_19 = arith.addi %scan3A_17, %scan3A_18 : i32
    %scan3A_20 = arith.constant 1 : i32
    scf.for %scan3A_26 = %scan3A_17 to %scan3A_19 step %scan3A_20  : i32 {
      %dma_wait3A = arith.constant 0 : i32
      %dma_wait3A_27 = arith.constant 0 : i32
      %dma_wait3A_28 = arith.constant 0 : i32
      %dma_wait3A_29 = arith.constant 0 : i32
      %dma_wait3A_30 = tpu.memref_slice %arg9[%dma_wait3A_27, %dma_wait3A_28, %dma_wait3A_29] : memref<2x80x64xf32, #tpu.memory_space<vmem>> -> memref<1x80x64xf32, #tpu.memory_space<vmem>>
      %dma_wait3A_31 = tpu.memref_squeeze %dma_wait3A_30 : memref<1x80x64xf32, #tpu.memory_space<vmem>> -> memref<80x64xf32, #tpu.memory_space<vmem>>
      %dma_wait3A_32 = arith.constant 0 : i32
      %dma_wait3A_33 = tpu.memref_slice %arg7[%dma_wait3A, %dma_wait3A_32] : memref<250x80xi32, #tpu.memory_space<vmem>> -> memref<1x80xi32, #tpu.memory_space<vmem>>
      %dma_wait3A_34 = tpu.memref_squeeze %dma_wait3A_33 : memref<1x80xi32, #tpu.memory_space<vmem>> -> memref<80xi32, #tpu.memory_space<vmem>>
      %dma_wait3A_35 = arith.constant 0 : i32
      %dma_wait3A_36 = arith.constant 0 : i32
      %dma_wait3A_37 = tpu.memref_slice %arg2[%dma_wait3A_35, %dma_wait3A_36] : memref<20000x64xf32, #tpu.memory_space<hbm>> -> memref<20000x64xf32, #tpu.memory_space<hbm>>
      tpu.wait_indirect_dma semaphore(%arg11 : memref<!tpu.dma_semaphore, #tpu.memory_space<semaphore_mem>>) src(%dma_wait3A_37 : memref<20000x64xf32, #tpu.memory_space<hbm>>) dst(%dma_wait3A_31 : memref<80x64xf32, #tpu.memory_space<vmem>>)
      %add3A_38 = arith.constant 1 : i32
      %add3A_39 = arith.addi %scan3A_26, %add3A_38 : i32
      %lt3A = arith.constant 250 : i32
      %lt3A_40 = arith.cmpi slt, %add3A_39, %lt3A : i32
      %convert_element_type3A = arith.extui %lt3A_40 : i1 to i32
      %cond3A = arith.constant 0 : i32
      %cond3A_41 = arith.cmpi ne, %convert_element_type3A, %cond3A : i32
      scf.if %cond3A_41 {
        %add3A_52 = arith.constant 1 : i32
        %add3A_53 = arith.addi %scan3A_26, %add3A_52 : i32
        %add3A_54 = arith.constant 1 : i32
        %add3A_55 = arith.addi %scan3A_26, %add3A_54 : i32
        %jit3A_56 = arith.constant 2 : i32
        %eq3A_57 = arith.constant 0 : i32
        %eq3A_58 = arith.cmpi eq, %jit3A_56, %eq3A_57 : i32
        %jit3A_59 = arith.constant 1 : i32
        %select_n3A_60 = arith.select %eq3A_58, %jit3A_59, %jit3A_56 : i32
        %rem3A_61 = arith.remsi %add3A_55, %select_n3A_60 : i32
        %ne3A_62 = arith.constant 0 : i32
        %ne3A_63 = arith.cmpi ne, %rem3A_61, %ne3A_62 : i32
        %lt3A_64 = arith.constant 0 : i32
        %lt3A_65 = arith.cmpi slt, %rem3A_61, %lt3A_64 : i32
        %lt3A_66 = arith.constant 0 : i32
        %lt3A_67 = arith.cmpi slt, %select_n3A_60, %lt3A_66 : i32
        %ne3A_68 = arith.xori %lt3A_65, %lt3A_67 : i1
        %and3A_69 = arith.andi %ne3A_68, %ne3A_63 : i1
        %add3A_70 = arith.addi %rem3A_61, %select_n3A_60 : i32
        %select_n3A_71 = arith.select %and3A_69, %add3A_70, %rem3A_61 : i32
        %dma_start3A_72 = arith.constant 0 : i32
        %dma_start3A_73 = arith.constant 0 : i32
        %dma_start3A_74 = tpu.memref_slice %arg9[%select_n3A_71, %dma_start3A_72, %dma_start3A_73] : memref<2x80x64xf32, #tpu.memory_space<vmem>> -> memref<1x80x64xf32, #tpu.memory_space<vmem>>
        %dma_start3A_75 = tpu.memref_squeeze %dma_start3A_74 : memref<1x80x64xf32, #tpu.memory_space<vmem>> -> memref<80x64xf32, #tpu.memory_space<vmem>>
        %dma_start3A_76 = arith.constant 0 : i32
        %dma_start3A_77 = tpu.memref_slice %arg7[%add3A_53, %dma_start3A_76] : memref<250x80xi32, #tpu.memory_space<vmem>> -> memref<1x80xi32, #tpu.memory_space<vmem>>
        %dma_start3A_78 = tpu.memref_squeeze %dma_start3A_77 : memref<1x80xi32, #tpu.memory_space<vmem>> -> memref<80xi32, #tpu.memory_space<vmem>>
        %dma_start3A_79 = arith.constant 0 : i32
        %dma_start3A_80 = arith.constant 0 : i32
        %dma_start3A_81 = tpu.memref_slice %arg2[%dma_start3A_79, %dma_start3A_80] : memref<20000x64xf32, #tpu.memory_space<hbm>> -> memref<20000x64xf32, #tpu.memory_space<hbm>>
        tpu.enqueue_indirect_dma source(%dma_start3A_81 : memref<20000x64xf32, #tpu.memory_space<hbm>>) target(%dma_start3A_75 : memref<80x64xf32, #tpu.memory_space<vmem>>) offsets(%dma_start3A_78 : memref<80xi32, #tpu.memory_space<vmem>>) semaphore(%arg11 : memref<!tpu.dma_semaphore, #tpu.memory_space<semaphore_mem>>)
      } else {
      }
      %jit3A = arith.constant 2 : i32
      %eq3A = arith.constant 0 : i32
      %eq3A_42 = arith.cmpi eq, %jit3A, %eq3A : i32
      %jit3A_43 = arith.constant 1 : i32
      %select_n3A = arith.select %eq3A_42, %jit3A_43, %jit3A : i32
      %rem3A = arith.remsi %scan3A_26, %select_n3A : i32
      %ne3A = arith.constant 0 : i32
      %ne3A_44 = arith.cmpi ne, %rem3A, %ne3A : i32
      %lt3A_45 = arith.constant 0 : i32
      %lt3A_46 = arith.cmpi slt, %rem3A, %lt3A_45 : i32
      %lt3A_47 = arith.constant 0 : i32
      %lt3A_48 = arith.cmpi slt, %select_n3A, %lt3A_47 : i32
      %ne3A_49 = arith.xori %lt3A_46, %lt3A_48 : i1
      %and3A = arith.andi %ne3A_49, %ne3A_44 : i1
      %add3A_50 = arith.addi %rem3A, %select_n3A : i32
      %select_n3A_51 = arith.select %and3A, %add3A_50, %rem3A : i32
      "tpu.region"() ({
        %run_scoped3A = tpu.sem_alloc : memref<!tpu.dma_semaphore, #tpu.memory_space<semaphore_mem>>
        %dma_start3A_52 = arith.constant 0 : i32
        %dma_start3A_53 = arith.constant 0 : i32
        %dma_start3A_54 = tpu.memref_slice %arg9[%select_n3A_51, %dma_start3A_52, %dma_start3A_53] : memref<2x80x64xf32, #tpu.memory_space<vmem>> -> memref<1x80x64xf32, #tpu.memory_space<vmem>>
        %dma_start3A_55 = tpu.memref_squeeze %dma_start3A_54 : memref<1x80x64xf32, #tpu.memory_space<vmem>> -> memref<80x64xf32, #tpu.memory_space<vmem>>
        %dma_start3A_56 = arith.constant 0 : i32
        %dma_start3A_57 = tpu.memref_slice %arg8[%scan3A_26, %dma_start3A_56] : memref<250x80xi32, #tpu.memory_space<vmem>> -> memref<1x80xi32, #tpu.memory_space<vmem>>
        %dma_start3A_58 = tpu.memref_squeeze %dma_start3A_57 : memref<1x80xi32, #tpu.memory_space<vmem>> -> memref<80xi32, #tpu.memory_space<vmem>>
        %dma_start3A_59 = arith.constant 0 : i32
        %dma_start3A_60 = arith.constant 0 : i32
        %dma_start3A_61 = tpu.memref_slice %arg10[%dma_start3A_59, %dma_start3A_60] : memref<10240x64xf32, #tpu.memory_space<vmem_shared>> -> memref<10240x64xf32, #tpu.memory_space<vmem_shared>>
        tpu.enqueue_indirect_dma source(%dma_start3A_55 : memref<80x64xf32, #tpu.memory_space<vmem>>) target(%dma_start3A_61 : memref<10240x64xf32, #tpu.memory_space<vmem_shared>>) offsets(%dma_start3A_58 : memref<80xi32, #tpu.memory_space<vmem>>) semaphore(%run_scoped3A : memref<!tpu.dma_semaphore, #tpu.memory_space<semaphore_mem>>) {add = true}
        %dma_wait3A_62 = arith.constant 0 : i32
        %dma_wait3A_63 = arith.constant 0 : i32
        %dma_wait3A_64 = tpu.memref_slice %arg9[%select_n3A_51, %dma_wait3A_62, %dma_wait3A_63] : memref<2x80x64xf32, #tpu.memory_space<vmem>> -> memref<1x80x64xf32, #tpu.memory_space<vmem>>
        %dma_wait3A_65 = tpu.memref_squeeze %dma_wait3A_64 : memref<1x80x64xf32, #tpu.memory_space<vmem>> -> memref<80x64xf32, #tpu.memory_space<vmem>>
        %dma_wait3A_66 = arith.constant 0 : i32
        %dma_wait3A_67 = tpu.memref_slice %arg8[%scan3A_26, %dma_wait3A_66] : memref<250x80xi32, #tpu.memory_space<vmem>> -> memref<1x80xi32, #tpu.memory_space<vmem>>
        %dma_wait3A_68 = tpu.memref_squeeze %dma_wait3A_67 : memref<1x80xi32, #tpu.memory_space<vmem>> -> memref<80xi32, #tpu.memory_space<vmem>>
        %dma_wait3A_69 = arith.constant 0 : i32
        %dma_wait3A_70 = arith.constant 0 : i32
        %dma_wait3A_71 = tpu.memref_slice %arg10[%dma_wait3A_69, %dma_wait3A_70] : memref<10240x64xf32, #tpu.memory_space<vmem_shared>> -> memref<10240x64xf32, #tpu.memory_space<vmem_shared>>
        tpu.wait_indirect_dma semaphore(%run_scoped3A : memref<!tpu.dma_semaphore, #tpu.memory_space<semaphore_mem>>) src(%dma_wait3A_65 : memref<80x64xf32, #tpu.memory_space<vmem>>) dst(%dma_wait3A_71 : memref<10240x64xf32, #tpu.memory_space<vmem_shared>>)
        tpu.yield
      }) : () -> ()
    }
    %scan3A_21 = arith.constant 250 : i32
    %barrier3A_22 = arith.constant 0 : index
    tpu.barrier barrier_id(%barrier3A_22)
    %mul3A_23 = arith.constant 10240 : i32
    %mul3A_24 = arith.muli %arg0, %mul3A_23 : i32
    %add3A_25 = arith.addi %mul3A_24, %mul3A_0 : i32
    "tpu.region"() ({
      %run_scoped3A = tpu.sem_alloc : memref<!tpu.dma_semaphore, #tpu.memory_space<semaphore_mem>>
      %dma_start3A_26 = arith.constant 0 : i32
      %dma_start3A_27 = tpu.memref_slice %arg6[%add3A_25, %dma_start3A_26] : memref<20480x64xf32, #tpu.memory_space<hbm>> -> memref<640x64xf32, #tpu.memory_space<hbm>>
      %dma_start3A_28 = arith.constant 0 : i32
      %dma_start3A_29 = tpu.memref_slice %arg10[%mul3A_0, %dma_start3A_28] : memref<10240x64xf32, #tpu.memory_space<vmem_shared>> -> memref<640x64xf32, #tpu.memory_space<vmem_shared>>
      tpu.enqueue_dma source(%dma_start3A_29 : memref<640x64xf32, #tpu.memory_space<vmem_shared>>) target(%dma_start3A_27 : memref<640x64xf32, #tpu.memory_space<hbm>>) target_semaphore(%run_scoped3A : memref<!tpu.dma_semaphore, #tpu.memory_space<semaphore_mem>>)
      %dma_wait3A = arith.constant 0 : i32
      %dma_wait3A_30 = tpu.memref_slice %arg6[%add3A_25, %dma_wait3A] : memref<20480x64xf32, #tpu.memory_space<hbm>> -> memref<640x64xf32, #tpu.memory_space<hbm>>
      %dma_wait3A_31 = arith.constant 0 : i32
      %dma_wait3A_32 = tpu.memref_slice %arg10[%mul3A_0, %dma_wait3A_31] : memref<10240x64xf32, #tpu.memory_space<vmem_shared>> -> memref<640x64xf32, #tpu.memory_space<vmem_shared>>
      tpu.wait_dma2 semaphore(%run_scoped3A : memref<!tpu.dma_semaphore, #tpu.memory_space<semaphore_mem>>) src(%dma_wait3A_32 : memref<640x64xf32, #tpu.memory_space<vmem_shared>>) dst(%dma_wait3A_30 : memref<640x64xf32, #tpu.memory_space<hbm>>)
      tpu.yield
    }) : () -> ()
    return
  }
}

#map = affine_map<(d0, d1) -> (0, 0)>
#map1 = affine_map<(d0, d1) -> (0, 0, 0)>
module attributes {stable_mosaic.version = 14 : i64} {
  func.func @_sc_scatter(%arg0: i32, %arg1: i32, %arg2: memref<20000x64xf32, #tpu.memory_space<hbm>>, %arg3: memref<32x250x80xi32, #tpu.memory_space<hbm>>, %arg4: memref<32x250x80xi32, #tpu.memory_space<hbm>>, %arg5: memref<10240x64xf32, #tpu.memory_space<hbm>>, %arg6: memref<20480x64xf32, #tpu.memory_space<hbm>>, %arg7: memref<250x80xi32, #tpu.memory_space<vmem>>, %arg8: memref<250x80xi32, #tpu.memory_space<vmem>>, %arg9: memref<2x80x64xf32, #tpu.memory_space<vmem>>, %arg10: memref<10240x64xf32, #tpu.memory_space<vmem_shared>>, %arg11: memref<!tpu.dma_semaphore, #tpu.memory_space<semaphore_mem>>) attributes {dimension_semantics = [#tpu.dimension_semantics<core_parallel>, #tpu.dimension_semantics<subcore_parallel>], iteration_bounds = array<i64: 2, 16>, scalar_prefetch = 0 : i64, scratch_operands = 5 : i64, tpu.core_type = #tpu.core_type<sc_vector_subcore>, window_params = [{transform_indices = #map}, {transform_indices = #map1}, {transform_indices = #map1}, {transform_indices = #map}, {transform_indices = #map}]} {
    %mul3A = arith.constant 640 : i32
    %mul3A_0 = arith.muli %arg1, %mul3A : i32
    "tpu.region"() ({
      %run_scoped3A = tpu.sem_alloc : memref<!tpu.dma_semaphore, #tpu.memory_space<semaphore_mem>>
      %dma_start3A_26 = arith.constant 0 : i32
      %dma_start3A_27 = tpu.memref_slice %arg10[%mul3A_0, %dma_start3A_26] : memref<10240x64xf32, #tpu.memory_space<vmem_shared>> -> memref<640x64xf32, #tpu.memory_space<vmem_shared>>
      %dma_start3A_28 = arith.constant 0 : i32
      %dma_start3A_29 = tpu.memref_slice %arg5[%mul3A_0, %dma_start3A_28] : memref<10240x64xf32, #tpu.memory_space<hbm>> -> memref<640x64xf32, #tpu.memory_space<hbm>>
      tpu.enqueue_dma source(%dma_start3A_29 : memref<640x64xf32, #tpu.memory_space<hbm>>) target(%dma_start3A_27 : memref<640x64xf32, #tpu.memory_space<vmem_shared>>) target_semaphore(%run_scoped3A : memref<!tpu.dma_semaphore, #tpu.memory_space<semaphore_mem>>)
      %dma_wait3A = arith.constant 0 : i32
      %dma_wait3A_30 = tpu.memref_slice %arg10[%mul3A_0, %dma_wait3A] : memref<10240x64xf32, #tpu.memory_space<vmem_shared>> -> memref<640x64xf32, #tpu.memory_space<vmem_shared>>
      %dma_wait3A_31 = arith.constant 0 : i32
      %dma_wait3A_32 = tpu.memref_slice %arg5[%mul3A_0, %dma_wait3A_31] : memref<10240x64xf32, #tpu.memory_space<hbm>> -> memref<640x64xf32, #tpu.memory_space<hbm>>
      tpu.wait_dma2 semaphore(%run_scoped3A : memref<!tpu.dma_semaphore, #tpu.memory_space<semaphore_mem>>) src(%dma_wait3A_32 : memref<640x64xf32, #tpu.memory_space<hbm>>) dst(%dma_wait3A_30 : memref<640x64xf32, #tpu.memory_space<vmem_shared>>)
      tpu.yield
    }) : () -> ()
    %mul3A_1 = arith.constant 16 : i32
    %mul3A_2 = arith.muli %arg0, %mul3A_1 : i32
    %add3A = arith.addi %mul3A_2, %arg1 : i32
    "tpu.region"() ({
      %run_scoped3A = tpu.sem_alloc : memref<!tpu.dma_semaphore, #tpu.memory_space<semaphore_mem>>
      %dma_start3A_26 = arith.constant 0 : i32
      %dma_start3A_27 = arith.constant 0 : i32
      %dma_start3A_28 = tpu.memref_slice %arg3[%add3A, %dma_start3A_26, %dma_start3A_27] : memref<32x250x80xi32, #tpu.memory_space<hbm>> -> memref<1x250x80xi32, #tpu.memory_space<hbm>>
      %dma_start3A_29 = tpu.memref_squeeze %dma_start3A_28 : memref<1x250x80xi32, #tpu.memory_space<hbm>> -> memref<250x80xi32, #tpu.memory_space<hbm>>
      %dma_start3A_30 = arith.constant 0 : i32
      %dma_start3A_31 = arith.constant 0 : i32
      %dma_start3A_32 = tpu.memref_slice %arg3[%add3A, %dma_start3A_30, %dma_start3A_31] : memref<32x250x80xi32, #tpu.memory_space<hbm>> -> memref<1x250x80xi32, #tpu.memory_space<hbm>>
      %dma_start3A_33 = tpu.memref_squeeze %dma_start3A_32 : memref<1x250x80xi32, #tpu.memory_space<hbm>> -> memref<250x80xi32, #tpu.memory_space<hbm>>
      tpu.enqueue_dma source(%dma_start3A_33 : memref<250x80xi32, #tpu.memory_space<hbm>>) target(%arg7 : memref<250x80xi32, #tpu.memory_space<vmem>>) target_semaphore(%run_scoped3A : memref<!tpu.dma_semaphore, #tpu.memory_space<semaphore_mem>>)
      %dma_wait3A = arith.constant 0 : i32
      %dma_wait3A_34 = arith.constant 0 : i32
      %dma_wait3A_35 = tpu.memref_slice %arg3[%add3A, %dma_wait3A, %dma_wait3A_34] : memref<32x250x80xi32, #tpu.memory_space<hbm>> -> memref<1x250x80xi32, #tpu.memory_space<hbm>>
      %dma_wait3A_36 = tpu.memref_squeeze %dma_wait3A_35 : memref<1x250x80xi32, #tpu.memory_space<hbm>> -> memref<250x80xi32, #tpu.memory_space<hbm>>
      %dma_wait3A_37 = arith.constant 0 : i32
      %dma_wait3A_38 = arith.constant 0 : i32
      %dma_wait3A_39 = tpu.memref_slice %arg3[%add3A, %dma_wait3A_37, %dma_wait3A_38] : memref<32x250x80xi32, #tpu.memory_space<hbm>> -> memref<1x250x80xi32, #tpu.memory_space<hbm>>
      %dma_wait3A_40 = tpu.memref_squeeze %dma_wait3A_39 : memref<1x250x80xi32, #tpu.memory_space<hbm>> -> memref<250x80xi32, #tpu.memory_space<hbm>>
      tpu.wait_dma2 semaphore(%run_scoped3A : memref<!tpu.dma_semaphore, #tpu.memory_space<semaphore_mem>>) src(%dma_wait3A_40 : memref<250x80xi32, #tpu.memory_space<hbm>>) dst(%arg7 : memref<250x80xi32, #tpu.memory_space<vmem>>)
      tpu.yield
    }) : () -> ()
    %mul3A_3 = arith.constant 16 : i32
    %mul3A_4 = arith.muli %arg0, %mul3A_3 : i32
    %add3A_5 = arith.addi %mul3A_4, %arg1 : i32
    "tpu.region"() ({
      %run_scoped3A = tpu.sem_alloc : memref<!tpu.dma_semaphore, #tpu.memory_space<semaphore_mem>>
      %dma_start3A_26 = arith.constant 0 : i32
      %dma_start3A_27 = arith.constant 0 : i32
      %dma_start3A_28 = tpu.memref_slice %arg4[%add3A_5, %dma_start3A_26, %dma_start3A_27] : memref<32x250x80xi32, #tpu.memory_space<hbm>> -> memref<1x250x80xi32, #tpu.memory_space<hbm>>
      %dma_start3A_29 = tpu.memref_squeeze %dma_start3A_28 : memref<1x250x80xi32, #tpu.memory_space<hbm>> -> memref<250x80xi32, #tpu.memory_space<hbm>>
      %dma_start3A_30 = arith.constant 0 : i32
      %dma_start3A_31 = arith.constant 0 : i32
      %dma_start3A_32 = tpu.memref_slice %arg4[%add3A_5, %dma_start3A_30, %dma_start3A_31] : memref<32x250x80xi32, #tpu.memory_space<hbm>> -> memref<1x250x80xi32, #tpu.memory_space<hbm>>
      %dma_start3A_33 = tpu.memref_squeeze %dma_start3A_32 : memref<1x250x80xi32, #tpu.memory_space<hbm>> -> memref<250x80xi32, #tpu.memory_space<hbm>>
      tpu.enqueue_dma source(%dma_start3A_33 : memref<250x80xi32, #tpu.memory_space<hbm>>) target(%arg8 : memref<250x80xi32, #tpu.memory_space<vmem>>) target_semaphore(%run_scoped3A : memref<!tpu.dma_semaphore, #tpu.memory_space<semaphore_mem>>)
      %dma_wait3A = arith.constant 0 : i32
      %dma_wait3A_34 = arith.constant 0 : i32
      %dma_wait3A_35 = tpu.memref_slice %arg4[%add3A_5, %dma_wait3A, %dma_wait3A_34] : memref<32x250x80xi32, #tpu.memory_space<hbm>> -> memref<1x250x80xi32, #tpu.memory_space<hbm>>
      %dma_wait3A_36 = tpu.memref_squeeze %dma_wait3A_35 : memref<1x250x80xi32, #tpu.memory_space<hbm>> -> memref<250x80xi32, #tpu.memory_space<hbm>>
      %dma_wait3A_37 = arith.constant 0 : i32
      %dma_wait3A_38 = arith.constant 0 : i32
      %dma_wait3A_39 = tpu.memref_slice %arg4[%add3A_5, %dma_wait3A_37, %dma_wait3A_38] : memref<32x250x80xi32, #tpu.memory_space<hbm>> -> memref<1x250x80xi32, #tpu.memory_space<hbm>>
      %dma_wait3A_40 = tpu.memref_squeeze %dma_wait3A_39 : memref<1x250x80xi32, #tpu.memory_space<hbm>> -> memref<250x80xi32, #tpu.memory_space<hbm>>
      tpu.wait_dma2 semaphore(%run_scoped3A : memref<!tpu.dma_semaphore, #tpu.memory_space<semaphore_mem>>) src(%dma_wait3A_40 : memref<250x80xi32, #tpu.memory_space<hbm>>) dst(%arg8 : memref<250x80xi32, #tpu.memory_space<vmem>>)
      tpu.yield
    }) : () -> ()
    %barrier3A = arith.constant 0 : index
    tpu.barrier barrier_id(%barrier3A)
    %dma_start3A = arith.constant 0 : i32
    %dma_start3A_6 = arith.constant 0 : i32
    %dma_start3A_7 = arith.constant 0 : i32
    %dma_start3A_8 = arith.constant 0 : i32
    %dma_start3A_9 = tpu.memref_slice %arg9[%dma_start3A_6, %dma_start3A_7, %dma_start3A_8] : memref<2x80x64xf32, #tpu.memory_space<vmem>> -> memref<1x80x64xf32, #tpu.memory_space<vmem>>
    %dma_start3A_10 = tpu.memref_squeeze %dma_start3A_9 : memref<1x80x64xf32, #tpu.memory_space<vmem>> -> memref<80x64xf32, #tpu.memory_space<vmem>>
    %dma_start3A_11 = arith.constant 0 : i32
    %dma_start3A_12 = tpu.memref_slice %arg7[%dma_start3A, %dma_start3A_11] : memref<250x80xi32, #tpu.memory_space<vmem>> -> memref<1x80xi32, #tpu.memory_space<vmem>>
    %dma_start3A_13 = tpu.memref_squeeze %dma_start3A_12 : memref<1x80xi32, #tpu.memory_space<vmem>> -> memref<80xi32, #tpu.memory_space<vmem>>
    %dma_start3A_14 = arith.constant 0 : i32
    %dma_start3A_15 = arith.constant 0 : i32
    %dma_start3A_16 = tpu.memref_slice %arg2[%dma_start3A_14, %dma_start3A_15] : memref<20000x64xf32, #tpu.memory_space<hbm>> -> memref<20000x64xf32, #tpu.memory_space<hbm>>
    tpu.enqueue_indirect_dma source(%dma_start3A_16 : memref<20000x64xf32, #tpu.memory_space<hbm>>) target(%dma_start3A_10 : memref<80x64xf32, #tpu.memory_space<vmem>>) offsets(%dma_start3A_13 : memref<80xi32, #tpu.memory_space<vmem>>) semaphore(%arg11 : memref<!tpu.dma_semaphore, #tpu.memory_space<semaphore_mem>>)
    %scan3A = arith.constant 0 : i32
    %scan3A_17 = arith.constant 0 : i32
    %scan3A_18 = arith.constant 250 : i32
    %scan3A_19 = arith.addi %scan3A_17, %scan3A_18 : i32
    %scan3A_20 = arith.constant 1 : i32
    scf.for %scan3A_26 = %scan3A_17 to %scan3A_19 step %scan3A_20  : i32 {
      %dma_wait3A = arith.constant 0 : i32
      %dma_wait3A_27 = arith.constant 0 : i32
      %dma_wait3A_28 = arith.constant 0 : i32
      %dma_wait3A_29 = arith.constant 0 : i32
      %dma_wait3A_30 = tpu.memref_slice %arg9[%dma_wait3A_27, %dma_wait3A_28, %dma_wait3A_29] : memref<2x80x64xf32, #tpu.memory_space<vmem>> -> memref<1x80x64xf32, #tpu.memory_space<vmem>>
      %dma_wait3A_31 = tpu.memref_squeeze %dma_wait3A_30 : memref<1x80x64xf32, #tpu.memory_space<vmem>> -> memref<80x64xf32, #tpu.memory_space<vmem>>
      %dma_wait3A_32 = arith.constant 0 : i32
      %dma_wait3A_33 = tpu.memref_slice %arg7[%dma_wait3A, %dma_wait3A_32] : memref<250x80xi32, #tpu.memory_space<vmem>> -> memref<1x80xi32, #tpu.memory_space<vmem>>
      %dma_wait3A_34 = tpu.memref_squeeze %dma_wait3A_33 : memref<1x80xi32, #tpu.memory_space<vmem>> -> memref<80xi32, #tpu.memory_space<vmem>>
      %dma_wait3A_35 = arith.constant 0 : i32
      %dma_wait3A_36 = arith.constant 0 : i32
      %dma_wait3A_37 = tpu.memref_slice %arg2[%dma_wait3A_35, %dma_wait3A_36] : memref<20000x64xf32, #tpu.memory_space<hbm>> -> memref<20000x64xf32, #tpu.memory_space<hbm>>
      tpu.wait_indirect_dma semaphore(%arg11 : memref<!tpu.dma_semaphore, #tpu.memory_space<semaphore_mem>>) src(%dma_wait3A_37 : memref<20000x64xf32, #tpu.memory_space<hbm>>) dst(%dma_wait3A_31 : memref<80x64xf32, #tpu.memory_space<vmem>>)
      %add3A_38 = arith.constant 1 : i32
      %add3A_39 = arith.addi %scan3A_26, %add3A_38 : i32
      %lt3A = arith.constant 250 : i32
      %lt3A_40 = arith.cmpi slt, %add3A_39, %lt3A : i32
      %convert_element_type3A = arith.extui %lt3A_40 : i1 to i32
      %cond3A = arith.constant 0 : i32
      %cond3A_41 = arith.cmpi ne, %convert_element_type3A, %cond3A : i32
      scf.if %cond3A_41 {
        %add3A_52 = arith.constant 1 : i32
        %add3A_53 = arith.addi %scan3A_26, %add3A_52 : i32
        %add3A_54 = arith.constant 1 : i32
        %add3A_55 = arith.addi %scan3A_26, %add3A_54 : i32
        %jit3A_56 = arith.constant 2 : i32
        %eq3A_57 = arith.constant 0 : i32
        %eq3A_58 = arith.cmpi eq, %jit3A_56, %eq3A_57 : i32
        %jit3A_59 = arith.constant 1 : i32
        %select_n3A_60 = arith.select %eq3A_58, %jit3A_59, %jit3A_56 : i32
        %rem3A_61 = arith.remsi %add3A_55, %select_n3A_60 : i32
        %ne3A_62 = arith.constant 0 : i32
        %ne3A_63 = arith.cmpi ne, %rem3A_61, %ne3A_62 : i32
        %lt3A_64 = arith.constant 0 : i32
        %lt3A_65 = arith.cmpi slt, %rem3A_61, %lt3A_64 : i32
        %lt3A_66 = arith.constant 0 : i32
        %lt3A_67 = arith.cmpi slt, %select_n3A_60, %lt3A_66 : i32
        %ne3A_68 = arith.xori %lt3A_65, %lt3A_67 : i1
        %and3A_69 = arith.andi %ne3A_68, %ne3A_63 : i1
        %add3A_70 = arith.addi %rem3A_61, %select_n3A_60 : i32
        %select_n3A_71 = arith.select %and3A_69, %add3A_70, %rem3A_61 : i32
        %dma_start3A_72 = arith.constant 0 : i32
        %dma_start3A_73 = arith.constant 0 : i32
        %dma_start3A_74 = tpu.memref_slice %arg9[%select_n3A_71, %dma_start3A_72, %dma_start3A_73] : memref<2x80x64xf32, #tpu.memory_space<vmem>> -> memref<1x80x64xf32, #tpu.memory_space<vmem>>
        %dma_start3A_75 = tpu.memref_squeeze %dma_start3A_74 : memref<1x80x64xf32, #tpu.memory_space<vmem>> -> memref<80x64xf32, #tpu.memory_space<vmem>>
        %dma_start3A_76 = arith.constant 0 : i32
        %dma_start3A_77 = tpu.memref_slice %arg7[%add3A_53, %dma_start3A_76] : memref<250x80xi32, #tpu.memory_space<vmem>> -> memref<1x80xi32, #tpu.memory_space<vmem>>
        %dma_start3A_78 = tpu.memref_squeeze %dma_start3A_77 : memref<1x80xi32, #tpu.memory_space<vmem>> -> memref<80xi32, #tpu.memory_space<vmem>>
        %dma_start3A_79 = arith.constant 0 : i32
        %dma_start3A_80 = arith.constant 0 : i32
        %dma_start3A_81 = tpu.memref_slice %arg2[%dma_start3A_79, %dma_start3A_80] : memref<20000x64xf32, #tpu.memory_space<hbm>> -> memref<20000x64xf32, #tpu.memory_space<hbm>>
        tpu.enqueue_indirect_dma source(%dma_start3A_81 : memref<20000x64xf32, #tpu.memory_space<hbm>>) target(%dma_start3A_75 : memref<80x64xf32, #tpu.memory_space<vmem>>) offsets(%dma_start3A_78 : memref<80xi32, #tpu.memory_space<vmem>>) semaphore(%arg11 : memref<!tpu.dma_semaphore, #tpu.memory_space<semaphore_mem>>)
      } else {
      }
      %jit3A = arith.constant 2 : i32
      %eq3A = arith.constant 0 : i32
      %eq3A_42 = arith.cmpi eq, %jit3A, %eq3A : i32
      %jit3A_43 = arith.constant 1 : i32
      %select_n3A = arith.select %eq3A_42, %jit3A_43, %jit3A : i32
      %rem3A = arith.remsi %scan3A_26, %select_n3A : i32
      %ne3A = arith.constant 0 : i32
      %ne3A_44 = arith.cmpi ne, %rem3A, %ne3A : i32
      %lt3A_45 = arith.constant 0 : i32
      %lt3A_46 = arith.cmpi slt, %rem3A, %lt3A_45 : i32
      %lt3A_47 = arith.constant 0 : i32
      %lt3A_48 = arith.cmpi slt, %select_n3A, %lt3A_47 : i32
      %ne3A_49 = arith.xori %lt3A_46, %lt3A_48 : i1
      %and3A = arith.andi %ne3A_49, %ne3A_44 : i1
      %add3A_50 = arith.addi %rem3A, %select_n3A : i32
      %select_n3A_51 = arith.select %and3A, %add3A_50, %rem3A : i32
      "tpu.region"() ({
        %run_scoped3A = tpu.sem_alloc : memref<!tpu.dma_semaphore, #tpu.memory_space<semaphore_mem>>
        %dma_start3A_52 = arith.constant 0 : i32
        %dma_start3A_53 = arith.constant 0 : i32
        %dma_start3A_54 = tpu.memref_slice %arg9[%select_n3A_51, %dma_start3A_52, %dma_start3A_53] : memref<2x80x64xf32, #tpu.memory_space<vmem>> -> memref<1x80x64xf32, #tpu.memory_space<vmem>>
        %dma_start3A_55 = tpu.memref_squeeze %dma_start3A_54 : memref<1x80x64xf32, #tpu.memory_space<vmem>> -> memref<80x64xf32, #tpu.memory_space<vmem>>
        %dma_start3A_56 = arith.constant 0 : i32
        %dma_start3A_57 = tpu.memref_slice %arg8[%scan3A_26, %dma_start3A_56] : memref<250x80xi32, #tpu.memory_space<vmem>> -> memref<1x80xi32, #tpu.memory_space<vmem>>
        %dma_start3A_58 = tpu.memref_squeeze %dma_start3A_57 : memref<1x80xi32, #tpu.memory_space<vmem>> -> memref<80xi32, #tpu.memory_space<vmem>>
        %dma_start3A_59 = arith.constant 0 : i32
        %dma_start3A_60 = arith.constant 0 : i32
        %dma_start3A_61 = tpu.memref_slice %arg10[%dma_start3A_59, %dma_start3A_60] : memref<10240x64xf32, #tpu.memory_space<vmem_shared>> -> memref<10240x64xf32, #tpu.memory_space<vmem_shared>>
        tpu.enqueue_indirect_dma source(%dma_start3A_55 : memref<80x64xf32, #tpu.memory_space<vmem>>) target(%dma_start3A_61 : memref<10240x64xf32, #tpu.memory_space<vmem_shared>>) offsets(%dma_start3A_58 : memref<80xi32, #tpu.memory_space<vmem>>) semaphore(%run_scoped3A : memref<!tpu.dma_semaphore, #tpu.memory_space<semaphore_mem>>) {add = true}
        %dma_wait3A_62 = arith.constant 0 : i32
        %dma_wait3A_63 = arith.constant 0 : i32
        %dma_wait3A_64 = tpu.memref_slice %arg9[%select_n3A_51, %dma_wait3A_62, %dma_wait3A_63] : memref<2x80x64xf32, #tpu.memory_space<vmem>> -> memref<1x80x64xf32, #tpu.memory_space<vmem>>
        %dma_wait3A_65 = tpu.memref_squeeze %dma_wait3A_64 : memref<1x80x64xf32, #tpu.memory_space<vmem>> -> memref<80x64xf32, #tpu.memory_space<vmem>>
        %dma_wait3A_66 = arith.constant 0 : i32
        %dma_wait3A_67 = tpu.memref_slice %arg8[%scan3A_26, %dma_wait3A_66] : memref<250x80xi32, #tpu.memory_space<vmem>> -> memref<1x80xi32, #tpu.memory_space<vmem>>
        %dma_wait3A_68 = tpu.memref_squeeze %dma_wait3A_67 : memref<1x80xi32, #tpu.memory_space<vmem>> -> memref<80xi32, #tpu.memory_space<vmem>>
        %dma_wait3A_69 = arith.constant 0 : i32
        %dma_wait3A_70 = arith.constant 0 : i32
        %dma_wait3A_71 = tpu.memref_slice %arg10[%dma_wait3A_69, %dma_wait3A_70] : memref<10240x64xf32, #tpu.memory_space<vmem_shared>> -> memref<10240x64xf32, #tpu.memory_space<vmem_shared>>
        tpu.wait_indirect_dma semaphore(%run_scoped3A : memref<!tpu.dma_semaphore, #tpu.memory_space<semaphore_mem>>) src(%dma_wait3A_65 : memref<80x64xf32, #tpu.memory_space<vmem>>) dst(%dma_wait3A_71 : memref<10240x64xf32, #tpu.memory_space<vmem_shared>>)
        tpu.yield
      }) : () -> ()
    }
    %scan3A_21 = arith.constant 250 : i32
    %barrier3A_22 = arith.constant 0 : index
    tpu.barrier barrier_id(%barrier3A_22)
    %mul3A_23 = arith.constant 10240 : i32
    %mul3A_24 = arith.muli %arg0, %mul3A_23 : i32
    %add3A_25 = arith.addi %mul3A_24, %mul3A_0 : i32
    "tpu.region"() ({
      %run_scoped3A = tpu.sem_alloc : memref<!tpu.dma_semaphore, #tpu.memory_space<semaphore_mem>>
      %dma_start3A_26 = arith.constant 0 : i32
      %dma_start3A_27 = tpu.memref_slice %arg6[%add3A_25, %dma_start3A_26] : memref<20480x64xf32, #tpu.memory_space<hbm>> -> memref<640x64xf32, #tpu.memory_space<hbm>>
      %dma_start3A_28 = arith.constant 0 : i32
      %dma_start3A_29 = tpu.memref_slice %arg10[%mul3A_0, %dma_start3A_28] : memref<10240x64xf32, #tpu.memory_space<vmem_shared>> -> memref<640x64xf32, #tpu.memory_space<vmem_shared>>
      tpu.enqueue_dma source(%dma_start3A_29 : memref<640x64xf32, #tpu.memory_space<vmem_shared>>) target(%dma_start3A_27 : memref<640x64xf32, #tpu.memory_space<hbm>>) target_semaphore(%run_scoped3A : memref<!tpu.dma_semaphore, #tpu.memory_space<semaphore_mem>>)
      %dma_wait3A = arith.constant 0 : i32
      %dma_wait3A_30 = tpu.memref_slice %arg6[%add3A_25, %dma_wait3A] : memref<20480x64xf32, #tpu.memory_space<hbm>> -> memref<640x64xf32, #tpu.memory_space<hbm>>
      %dma_wait3A_31 = arith.constant 0 : i32
      %dma_wait3A_32 = tpu.memref_slice %arg10[%mul3A_0, %dma_wait3A_31] : memref<10240x64xf32, #tpu.memory_space<vmem_shared>> -> memref<640x64xf32, #tpu.memory_space<vmem_shared>>
      tpu.wait_dma2 semaphore(%run_scoped3A : memref<!tpu.dma_semaphore, #tpu.memory_space<semaphore_mem>>) src(%dma_wait3A_32 : memref<640x64xf32, #tpu.memory_space<vmem_shared>>) dst(%dma_wait3A_30 : memref<640x64xf32, #tpu.memory_space<hbm>>)
      tpu.yield
    }) : () -> ()
    return
  }
}

module attributes {stable_mosaic.version = 14 : i64} {
  func.func @body(%arg0: i32, %arg1: i32, %arg2: i32, %arg3: memref<1x2000x128xf32, #tpu.memory_space<vmem>>, %arg4: memref<1x1x64x128xf32, #tpu.memory_space<vmem>>, %arg5: memref<1x2000x64xf32, #tpu.memory_space<vmem>>, %arg6: memref<1x1x2000x64xf32, #tpu.memory_space<vmem>>) attributes {dimension_semantics = [#tpu.dimension_semantics<arbitrary>, #tpu.dimension_semantics<arbitrary>, #tpu.dimension_semantics<arbitrary>], iteration_bounds = array<i64: 2, 2, 5>, scalar_prefetch = 0 : i64, scratch_operands = 0 : i64, tpu.core_type = #tpu.core_type<tc>, window_params = [{transform_indices = @transform_0, window_bounds = array<i64: 1, 2000, 128>}, {transform_indices = @transform_1, window_bounds = array<i64: 1, 1, 64, 128>}, {transform_indices = @transform_2, window_bounds = array<i64: 1, 2000, 64>}, {transform_indices = @transform_3, window_bounds = array<i64: 1, 1, 2000, 64>}]} {
    %get3A = arith.constant 0 : index
    %get3A_0 = arith.constant 0 : index
    %get3A_1 = arith.constant 0 : index
    %get3A_2 = vector.load %arg5[%get3A, %get3A_0, %get3A_1] : memref<1x2000x64xf32, #tpu.memory_space<vmem>>, vector<1x2000x1xf32>
    %get3A_3 = vector.shape_cast %get3A_2 : vector<1x2000x1xf32> to vector<2000x1xf32>
    %add3A = arith.constant 1.000000e+00 : f32
    %add3A_4 = vector.broadcast %add3A : f32 to vector<2000x1xf32>
    %add3A_5 = arith.addf %get3A_3, %add3A_4 : vector<2000x1xf32>
    %rsqrt3A = math.rsqrt %add3A_5 : vector<2000x1xf32>
    %get3A_6 = arith.constant 0 : index
    %get3A_7 = arith.constant 0 : index
    %get3A_8 = arith.constant 0 : index
    %get3A_9 = vector.load %arg3[%get3A_6, %get3A_7, %get3A_8] : memref<1x2000x128xf32, #tpu.memory_space<vmem>>, vector<1x2000x128xf32>
    %get3A_10 = vector.shape_cast %get3A_9 : vector<1x2000x128xf32> to vector<2000x128xf32>
    %get3A_11 = arith.constant 0 : index
    %get3A_12 = arith.constant 0 : index
    %get3A_13 = arith.constant 0 : index
    %get3A_14 = arith.constant 0 : index
    %get3A_15 = vector.load %arg4[%get3A_11, %get3A_12, %get3A_13, %get3A_14] : memref<1x1x64x128xf32, #tpu.memory_space<vmem>>, vector<1x1x64x128xf32>
    %get3A_16 = vector.shape_cast %get3A_15 : vector<1x1x64x128xf32> to vector<64x128xf32>
    %dot_general3A = arith.constant dense<0.000000e+00> : vector<2000x64xf32>
    %dot_general3A_17 = tpu.matmul %get3A_10, %get3A_16, %dot_general3A {dimension_numbers = #tpu.dot_dimension_numbers<[1], [1], [0], [0], [0, 0, 1, 0], [], []>, precision = #tpu.contract_precision<fp32>, transpose_lhs_hint = false} : vector<2000x128xf32>, vector<64x128xf32>, vector<2000x64xf32> -> vector<2000x64xf32>
    %mul3A = vector.broadcast %rsqrt3A : vector<2000x1xf32> to vector<2000x64xf32>
    %mul3A_18 = arith.mulf %dot_general3A_17, %mul3A : vector<2000x64xf32>
    %swap3A = arith.constant 0 : index
    %swap3A_19 = arith.constant 0 : index
    %swap3A_20 = arith.constant 0 : index
    %swap3A_21 = arith.constant 0 : index
    %swap3A_22 = vector.load %arg6[%swap3A, %swap3A_19, %swap3A_20, %swap3A_21] : memref<1x1x2000x64xf32, #tpu.memory_space<vmem>>, vector<1x1x2000x64xf32>
    %swap3A_23 = vector.shape_cast %swap3A_22 : vector<1x1x2000x64xf32> to vector<2000x64xf32>
    %swap3A_24 = vector.shape_cast %mul3A_18 : vector<2000x64xf32> to vector<1x1x2000x64xf32>
    tpu.vector_store %arg6[%swap3A, %swap3A_19, %swap3A_20, %swap3A_21], %swap3A_24 {strides = array<i32>} : memref<1x1x2000x64xf32, #tpu.memory_space<vmem>>, vector<1x1x2000x64xf32>,
    return
  }
  func.func @transform_0(%arg0: i32, %arg1: i32, %arg2: i32) -> (i32, i32, i32) {
    %c0_i32 = arith.constant 0 : i32
    %c0_i32_0 = arith.constant 0 : i32
    return %arg1, %arg2, %c0_i32 : i32, i32, i32
  }
  func.func @transform_1(%arg0: i32, %arg1: i32, %arg2: i32) -> (i32, i32, i32, i32) {
    %c0_i32 = arith.constant 0 : i32
    %c0_i32_0 = arith.constant 0 : i32
    %c0_i32_1 = arith.constant 0 : i32
    return %arg1, %arg0, %c0_i32, %c0_i32_0 : i32, i32, i32, i32
  }
  func.func @transform_2(%arg0: i32, %arg1: i32, %arg2: i32) -> (i32, i32, i32) {
    %c0_i32 = arith.constant 0 : i32
    %c0_i32_0 = arith.constant 0 : i32
    return %arg1, %arg2, %c0_i32 : i32, i32, i32
  }
  func.func @transform_3(%arg0: i32, %arg1: i32, %arg2: i32) -> (i32, i32, i32, i32) {
    %c0_i32 = arith.constant 0 : i32
    %c0_i32_0 = arith.constant 0 : i32
    return %arg0, %arg1, %arg2, %c0_i32 : i32, i32, i32, i32
  }
}

module attributes {stable_mosaic.version = 14 : i64} {
  func.func @body(%arg0: i32, %arg1: i32, %arg2: memref<1x2000x64xf32, #tpu.memory_space<vmem>>, %arg3: memref<1x2000x64xf32, #tpu.memory_space<vmem>>, %arg4: memref<1x1x2000x64xf32, #tpu.memory_space<vmem>>, %arg5: memref<1x1x2000x64xf32, #tpu.memory_space<vmem>>, %arg6: memref<1x2000x64xf32, #tpu.memory_space<vmem>>, %arg7: memref<1x2000x1xi32, #tpu.memory_space<vmem>>, %arg8: memref<1x1x128xf32, #tpu.memory_space<vmem>>, %arg9: memref<1x64x128xf32, #tpu.memory_space<vmem>>, %arg10: memref<1x64x128xf32, #tpu.memory_space<vmem>>) attributes {dimension_semantics = [#tpu.dimension_semantics<arbitrary>, #tpu.dimension_semantics<arbitrary>], iteration_bounds = array<i64: 2, 5>, scalar_prefetch = 0 : i64, scratch_operands = 0 : i64, tpu.core_type = #tpu.core_type<tc>, window_params = [{transform_indices = @transform_0, window_bounds = array<i64: 1, 2000, 64>}, {transform_indices = @transform_1, window_bounds = array<i64: 1, 2000, 64>}, {transform_indices = @transform_2, window_bounds = array<i64: 1, 1, 2000, 64>}, {transform_indices = @transform_3, window_bounds = array<i64: 1, 1, 2000, 64>}, {transform_indices = @transform_4, window_bounds = array<i64: 1, 2000, 64>}, {transform_indices = @transform_5, window_bounds = array<i64: 1, 2000, 1>}, {transform_indices = @transform_6, window_bounds = array<i64: 1, 1, 128>}, {transform_indices = @transform_7, window_bounds = array<i64: 1, 64, 128>}, {transform_indices = @transform_8, window_bounds = array<i64: 1, 64, 128>}]} {
    %get3A = arith.constant 0 : index
    %get3A_0 = arith.constant 0 : index
    %get3A_1 = arith.constant 0 : index
    %get3A_2 = vector.load %arg6[%get3A, %get3A_0, %get3A_1] : memref<1x2000x64xf32, #tpu.memory_space<vmem>>, vector<1x2000x1xf32>
    %get3A_3 = vector.shape_cast %get3A_2 : vector<1x2000x1xf32> to vector<2000x1xf32>
    %add3A = arith.constant 1.000000e+00 : f32
    %add3A_4 = vector.broadcast %add3A : f32 to vector<2000x1xf32>
    %add3A_5 = arith.addf %get3A_3, %add3A_4 : vector<2000x1xf32>
    %rsqrt3A = math.rsqrt %add3A_5 : vector<2000x1xf32>
    %get3A_6 = arith.constant 0 : index
    %get3A_7 = arith.constant 0 : index
    %get3A_8 = arith.constant 0 : index
    %get3A_9 = vector.load %arg2[%get3A_6, %get3A_7, %get3A_8] : memref<1x2000x64xf32, #tpu.memory_space<vmem>>, vector<1x2000x64xf32>
    %get3A_10 = vector.shape_cast %get3A_9 : vector<1x2000x64xf32> to vector<2000x64xf32>
    %get3A_11 = arith.constant 0 : index
    %get3A_12 = arith.constant 0 : index
    %get3A_13 = arith.constant 0 : index
    %get3A_14 = arith.constant 0 : index
    %get3A_15 = vector.load %arg4[%get3A_11, %get3A_12, %get3A_13, %get3A_14] : memref<1x1x2000x64xf32, #tpu.memory_space<vmem>>, vector<1x1x2000x64xf32>
    %get3A_16 = vector.shape_cast %get3A_15 : vector<1x1x2000x64xf32> to vector<2000x64xf32>
    %add3A_17 = arith.addf %get3A_10, %get3A_16 : vector<2000x64xf32>
    %get3A_18 = arith.constant 0 : index
    %get3A_19 = arith.constant 0 : index
    %get3A_20 = arith.constant 0 : index
    %get3A_21 = vector.load %arg3[%get3A_18, %get3A_19, %get3A_20] : memref<1x2000x64xf32, #tpu.memory_space<vmem>>, vector<1x2000x64xf32>
    %get3A_22 = vector.shape_cast %get3A_21 : vector<1x2000x64xf32> to vector<2000x64xf32>
    %get3A_23 = arith.constant 0 : index
    %get3A_24 = arith.constant 0 : index
    %get3A_25 = arith.constant 0 : index
    %get3A_26 = arith.constant 0 : index
    %get3A_27 = vector.load %arg5[%get3A_23, %get3A_24, %get3A_25, %get3A_26] : memref<1x1x2000x64xf32, #tpu.memory_space<vmem>>, vector<1x1x2000x64xf32>
    %get3A_28 = vector.shape_cast %get3A_27 : vector<1x1x2000x64xf32> to vector<2000x64xf32>
    %add3A_29 = arith.addf %get3A_22, %get3A_28 : vector<2000x64xf32>
    %concatenate3A = tpu.concatenate %add3A_17, %add3A_29 in 1 : vector<2000x64xf32>, vector<2000x64xf32> -> vector<2000x128xf32>
    %mul3A = vector.broadcast %rsqrt3A : vector<2000x1xf32> to vector<2000x128xf32>
    %mul3A_30 = arith.mulf %concatenate3A, %mul3A : vector<2000x128xf32>
    %get3A_31 = arith.constant 0 : index
    %get3A_32 = arith.constant 0 : index
    %get3A_33 = arith.constant 0 : index
    %get3A_34 = vector.load %arg8[%get3A_31, %get3A_32, %get3A_33] : memref<1x1x128xf32, #tpu.memory_space<vmem>>, vector<1x1x128xf32>
    %get3A_35 = vector.shape_cast %get3A_34 : vector<1x1x128xf32> to vector<1x128xf32>
    %add3A_36 = vector.broadcast %get3A_35 : vector<1x128xf32> to vector<2000x128xf32>
    %add3A_37 = arith.addf %mul3A_30, %add3A_36 : vector<2000x128xf32>
    %ge3A = arith.constant 0.000000e+00 : f32
    %ge3A_38 = vector.broadcast %ge3A : f32 to vector<2000x128xf32>
    %ge3A_39 = arith.cmpf oge, %add3A_37, %ge3A_38 : vector<2000x128xf32>
    %mul3A_40 = arith.constant 0.00999999977 : f32
    %mul3A_41 = vector.broadcast %mul3A_40 : f32 to vector<2000x128xf32>
    %mul3A_42 = arith.mulf %mul3A_41, %add3A_37 : vector<2000x128xf32>
    %select_n3A = arith.select %ge3A_39, %add3A_37, %mul3A_42 : vector<2000x128xi1>, vector<2000x128xf32>
    %get3A_43 = arith.constant 0 : index
    %get3A_44 = arith.constant 0 : index
    %get3A_45 = arith.constant 0 : index
    %get3A_46 = vector.load %arg7[%get3A_43, %get3A_44, %get3A_45] : memref<1x2000x1xi32, #tpu.memory_space<vmem>>, vector<1x2000x1xi32>
    %get3A_47 = vector.shape_cast %get3A_46 : vector<1x2000x1xi32> to vector<2000xi32>
    %broadcast_in_dim3A = vector.shape_cast %get3A_47 : vector<2000xi32> to vector<2000x1xi32>
    %iota3A = tpu.iota {dimensions = array<i32: 1>} : vector<2000x64xi32>
    %eq3A = vector.broadcast %broadcast_in_dim3A : vector<2000x1xi32> to vector<2000x64xi32>
    %eq3A_48 = arith.cmpi eq, %eq3A, %iota3A : vector<2000x64xi32>
    %convert_element_type3A = arith.extui %eq3A_48 : vector<2000x64xi1> to vector<2000x64xi32>
    %convert_element_type3A_49 = arith.sitofp %convert_element_type3A : vector<2000x64xi32> to vector<2000x64xf32>
    %dot_general3A = arith.constant dense<0.000000e+00> : vector<64x128xf32>
    %dot_general3A_50 = tpu.matmul %convert_element_type3A_49, %select_n3A, %dot_general3A {dimension_numbers = #tpu.dot_dimension_numbers<[0], [0], [1], [1], [0, 1, 1, 1], [], []>, precision = #tpu.contract_precision<fp32>, transpose_lhs_hint = false} : vector<2000x64xf32>, vector<2000x128xf32>, vector<64x128xf32> -> vector<64x128xf32>
    %broadcast_in_dim3A_51 = arith.constant 1.000000e+00 : f32
    %broadcast_in_dim3A_52 = vector.broadcast %broadcast_in_dim3A_51 : f32 to vector<2000x128xf32>
    %dot_general3A_53 = arith.constant dense<0.000000e+00> : vector<64x128xf32>
    %dot_general3A_54 = tpu.matmul %convert_element_type3A_49, %broadcast_in_dim3A_52, %dot_general3A_53 {dimension_numbers = #tpu.dot_dimension_numbers<[0], [0], [1], [1], [0, 1, 1, 1], [], []>, precision = #tpu.contract_precision<fp32>, transpose_lhs_hint = false} : vector<2000x64xf32>, vector<2000x128xf32>, vector<64x128xf32> -> vector<64x128xf32>
    %eq3A_55 = arith.constant 0 : i32
    %eq3A_56 = arith.cmpi eq, %arg1, %eq3A_55 : i32
    %convert_element_type3A_57 = arith.extui %eq3A_56 : i1 to i32
    %cond3A = arith.constant 0 : i32
    %cond3A_58 = arith.cmpi ne, %convert_element_type3A_57, %cond3A : i32
    scf.if %cond3A_58 {
      %swap3A = arith.constant 0 : index
      %swap3A_63 = arith.constant 0 : index
      %swap3A_64 = arith.constant 0 : index
      %swap3A_65 = vector.load %arg9[%swap3A, %swap3A_63, %swap3A_64] : memref<1x64x128xf32, #tpu.memory_space<vmem>>, vector<1x64x128xf32>
      %swap3A_66 = vector.shape_cast %swap3A_65 : vector<1x64x128xf32> to vector<64x128xf32>
      %swap3A_67 = vector.shape_cast %dot_general3A_50 : vector<64x128xf32> to vector<1x64x128xf32>
      tpu.vector_store %arg9[%swap3A, %swap3A_63, %swap3A_64], %swap3A_67 {strides = array<i32>} : memref<1x64x128xf32, #tpu.memory_space<vmem>>, vector<1x64x128xf32>,
      %swap3A_68 = arith.constant 0 : index
      %swap3A_69 = arith.constant 0 : index
      %swap3A_70 = arith.constant 0 : index
      %swap3A_71 = vector.load %arg10[%swap3A_68, %swap3A_69, %swap3A_70] : memref<1x64x128xf32, #tpu.memory_space<vmem>>, vector<1x64x128xf32>
      %swap3A_72 = vector.shape_cast %swap3A_71 : vector<1x64x128xf32> to vector<64x128xf32>
      %swap3A_73 = vector.shape_cast %dot_general3A_54 : vector<64x128xf32> to vector<1x64x128xf32>
      tpu.vector_store %arg10[%swap3A_68, %swap3A_69, %swap3A_70], %swap3A_73 {strides = array<i32>} : memref<1x64x128xf32, #tpu.memory_space<vmem>>, vector<1x64x128xf32>,
    } else {
    }
    %ne3A = arith.constant 0 : i32
    %ne3A_59 = arith.cmpi ne, %arg1, %ne3A : i32
    %convert_element_type3A_60 = arith.extui %ne3A_59 : i1 to i32
    %cond3A_61 = arith.constant 0 : i32
    %cond3A_62 = arith.cmpi ne, %convert_element_type3A_60, %cond3A_61 : i32
    scf.if %cond3A_62 {
      %get3A_63 = arith.constant 0 : index
      %get3A_64 = arith.constant 0 : index
      %get3A_65 = arith.constant 0 : index
      %get3A_66 = vector.load %arg9[%get3A_63, %get3A_64, %get3A_65] : memref<1x64x128xf32, #tpu.memory_space<vmem>>, vector<1x64x128xf32>
      %get3A_67 = vector.shape_cast %get3A_66 : vector<1x64x128xf32> to vector<64x128xf32>
      %add3A_68 = arith.addf %get3A_67, %dot_general3A_50 : vector<64x128xf32>
      %swap3A = arith.constant 0 : index
      %swap3A_69 = arith.constant 0 : index
      %swap3A_70 = arith.constant 0 : index
      %swap3A_71 = vector.load %arg9[%swap3A, %swap3A_69, %swap3A_70] : memref<1x64x128xf32, #tpu.memory_space<vmem>>, vector<1x64x128xf32>
      %swap3A_72 = vector.shape_cast %swap3A_71 : vector<1x64x128xf32> to vector<64x128xf32>
      %swap3A_73 = vector.shape_cast %add3A_68 : vector<64x128xf32> to vector<1x64x128xf32>
      tpu.vector_store %arg9[%swap3A, %swap3A_69, %swap3A_70], %swap3A_73 {strides = array<i32>} : memref<1x64x128xf32, #tpu.memory_space<vmem>>, vector<1x64x128xf32>,
      %get3A_74 = arith.constant 0 : index
      %get3A_75 = arith.constant 0 : index
      %get3A_76 = arith.constant 0 : index
      %get3A_77 = vector.load %arg10[%get3A_74, %get3A_75, %get3A_76] : memref<1x64x128xf32, #tpu.memory_space<vmem>>, vector<1x64x128xf32>
      %get3A_78 = vector.shape_cast %get3A_77 : vector<1x64x128xf32> to vector<64x128xf32>
      %add3A_79 = arith.addf %get3A_78, %dot_general3A_54 : vector<64x128xf32>
      %swap3A_80 = arith.constant 0 : index
      %swap3A_81 = arith.constant 0 : index
      %swap3A_82 = arith.constant 0 : index
      %swap3A_83 = vector.load %arg10[%swap3A_80, %swap3A_81, %swap3A_82] : memref<1x64x128xf32, #tpu.memory_space<vmem>>, vector<1x64x128xf32>
      %swap3A_84 = vector.shape_cast %swap3A_83 : vector<1x64x128xf32> to vector<64x128xf32>
      %swap3A_85 = vector.shape_cast %add3A_79 : vector<64x128xf32> to vector<1x64x128xf32>
      tpu.vector_store %arg10[%swap3A_80, %swap3A_81, %swap3A_82], %swap3A_85 {strides = array<i32>} : memref<1x64x128xf32, #tpu.memory_space<vmem>>, vector<1x64x128xf32>,
    } else {
    }
    return
  }
  func.func @transform_0(%arg0: i32, %arg1: i32) -> (i32, i32, i32) {
    %c0_i32 = arith.constant 0 : i32
    %c0_i32_0 = arith.constant 0 : i32
    return %arg0, %arg1, %c0_i32 : i32, i32, i32
  }
  func.func @transform_1(%arg0: i32, %arg1: i32) -> (i32, i32, i32) {
    %c0_i32 = arith.constant 0 : i32
    %c0_i32_0 = arith.constant 0 : i32
    return %arg0, %arg1, %c0_i32 : i32, i32, i32
  }
  func.func @transform_2(%arg0: i32, %arg1: i32) -> (i32, i32, i32, i32) {
    %c0_i32 = arith.constant 0 : i32
    %c0_i32_0 = arith.constant 0 : i32
    %c0_i32_1 = arith.constant 0 : i32
    return %c0_i32, %arg0, %arg1, %c0_i32_0 : i32, i32, i32, i32
  }
  func.func @transform_3(%arg0: i32, %arg1: i32) -> (i32, i32, i32, i32) {
    %c1_i32 = arith.constant 1 : i32
    %c0_i32 = arith.constant 0 : i32
    %c0_i32_0 = arith.constant 0 : i32
    return %c1_i32, %arg0, %arg1, %c0_i32 : i32, i32, i32, i32
  }
  func.func @transform_4(%arg0: i32, %arg1: i32) -> (i32, i32, i32) {
    %c0_i32 = arith.constant 0 : i32
    %c0_i32_0 = arith.constant 0 : i32
    return %arg0, %arg1, %c0_i32 : i32, i32, i32
  }
  func.func @transform_5(%arg0: i32, %arg1: i32) -> (i32, i32, i32) {
    %c0_i32 = arith.constant 0 : i32
    %c0_i32_0 = arith.constant 0 : i32
    return %arg0, %arg1, %c0_i32 : i32, i32, i32
  }
  func.func @transform_6(%arg0: i32, %arg1: i32) -> (i32, i32, i32) {
    %c0_i32 = arith.constant 0 : i32
    %c0_i32_0 = arith.constant 0 : i32
    %c0_i32_1 = arith.constant 0 : i32
    return %arg0, %c0_i32, %c0_i32_0 : i32, i32, i32
  }
  func.func @transform_7(%arg0: i32, %arg1: i32) -> (i32, i32, i32) {
    %c0_i32 = arith.constant 0 : i32
    %c0_i32_0 = arith.constant 0 : i32
    %c0_i32_1 = arith.constant 0 : i32
    return %arg0, %c0_i32, %c0_i32_0 : i32, i32, i32
  }
  func.func @transform_8(%arg0: i32, %arg1: i32) -> (i32, i32, i32) {
    %c0_i32 = arith.constant 0 : i32
    %c0_i32_0 = arith.constant 0 : i32
    %c0_i32_1 = arith.constant 0 : i32
    return %arg0, %c0_i32, %c0_i32_0 : i32, i32, i32
  }
}

module attributes {stable_mosaic.version = 14 : i64} {
  func.func @body(%arg0: memref<2x64x128xf32, #tpu.memory_space<vmem>>, %arg1: memref<2x64x128xf32, #tpu.memory_space<vmem>>, %arg2: memref<64x16x400xf32, #tpu.memory_space<vmem>>, %arg3: memref<64x16x400xf32, #tpu.memory_space<vmem>>, %arg4: memref<64x16x400xf32, #tpu.memory_space<vmem>>, %arg5: memref<64x16x400xf32, #tpu.memory_space<vmem>>, %arg6: memref<128x128xf32, #tpu.memory_space<vmem>>, %arg7: memref<1x128xf32, #tpu.memory_space<vmem>>, %arg8: memref<128x128xf32, #tpu.memory_space<vmem>>, %arg9: memref<1x128xf32, #tpu.memory_space<vmem>>, %arg10: memref<256x256xf32, #tpu.memory_space<vmem>>, %arg11: memref<1x256xf32, #tpu.memory_space<vmem>>, %arg12: memref<64x256xf32, #tpu.memory_space<vmem>>, %arg13: memref<1x64xf32, #tpu.memory_space<vmem>>, %arg14: memref<64x80xf32, #tpu.memory_space<vmem>>, %arg15: memref<1x64xf32, #tpu.memory_space<vmem>>, %arg16: memref<64x80xf32, #tpu.memory_space<vmem>>, %arg17: memref<1x64xf32, #tpu.memory_space<vmem>>, %arg18: memref<1x192xf32, #tpu.memory_space<vmem>>, %arg19: memref<1x1xf32, #tpu.memory_space<vmem>>, %arg20: memref<1x8xf32, #tpu.memory_space<vmem>>, %arg21: memref<64x1xf32, #tpu.memory_space<vmem>>) attributes {dimension_semantics = [], scalar_prefetch = 0 : i64, scratch_operands = 0 : i64, tpu.core_type = #tpu.core_type<tc>} {
    %get3A = arith.constant 0 : index
    %get3A_0 = arith.constant 0 : index
    %get3A_1 = arith.constant 0 : index
    %get3A_2 = vector.load %arg0[%get3A, %get3A_0, %get3A_1] : memref<2x64x128xf32, #tpu.memory_space<vmem>>, vector<1x64x128xf32>
    %get3A_3 = vector.shape_cast %get3A_2 : vector<1x64x128xf32> to vector<64x128xf32>
    %get3A_4 = arith.constant 0 : index
    %get3A_5 = arith.constant 0 : index
    %get3A_6 = arith.constant 0 : index
    %get3A_7 = vector.load %arg1[%get3A_4, %get3A_5, %get3A_6] : memref<2x64x128xf32, #tpu.memory_space<vmem>>, vector<1x64x128xf32>
    %get3A_8 = vector.shape_cast %get3A_7 : vector<1x64x128xf32> to vector<64x128xf32>
    %max3A = arith.constant 1.000000e+00 : f32
    %max3A_9 = vector.broadcast %max3A : f32 to vector<64x128xf32>
    %max3A_10 = arith.maximumf %get3A_8, %max3A_9 : vector<64x128xf32>
    %div3A = arith.divf %get3A_3, %max3A_10 : vector<64x128xf32>
    %get3A_11 = arith.constant 1 : index
    %get3A_12 = arith.constant 0 : index
    %get3A_13 = arith.constant 0 : index
    %get3A_14 = vector.load %arg0[%get3A_11, %get3A_12, %get3A_13] : memref<2x64x128xf32, #tpu.memory_space<vmem>>, vector<1x64x128xf32>
    %get3A_15 = vector.shape_cast %get3A_14 : vector<1x64x128xf32> to vector<64x128xf32>
    %get3A_16 = arith.constant 1 : index
    %get3A_17 = arith.constant 0 : index
    %get3A_18 = arith.constant 0 : index
    %get3A_19 = vector.load %arg1[%get3A_16, %get3A_17, %get3A_18] : memref<2x64x128xf32, #tpu.memory_space<vmem>>, vector<1x64x128xf32>
    %get3A_20 = vector.shape_cast %get3A_19 : vector<1x64x128xf32> to vector<64x128xf32>
    %max3A_21 = arith.constant 1.000000e+00 : f32
    %max3A_22 = vector.broadcast %max3A_21 : f32 to vector<64x128xf32>
    %max3A_23 = arith.maximumf %get3A_20, %max3A_22 : vector<64x128xf32>
    %div3A_24 = arith.divf %get3A_15, %max3A_23 : vector<64x128xf32>
    %get3A_25 = arith.constant 0 : index
    %get3A_26 = arith.constant 0 : index
    %get3A_27 = vector.load %arg6[%get3A_25, %get3A_26] : memref<128x128xf32, #tpu.memory_space<vmem>>, vector<128x128xf32>
    %dot_general3A = arith.constant dense<0.000000e+00> : vector<64x128xf32>
    %dot_general3A_28 = tpu.matmul %div3A, %get3A_27, %dot_general3A {dimension_numbers = #tpu.dot_dimension_numbers<[1], [1], [0], [0], [0, 0, 1, 0], [], []>, precision = #tpu.contract_precision<fp32>, transpose_lhs_hint = false} : vector<64x128xf32>, vector<128x128xf32>, vector<64x128xf32> -> vector<64x128xf32>
    %get3A_29 = arith.constant 0 : index
    %get3A_30 = arith.constant 0 : index
    %get3A_31 = vector.load %arg7[%get3A_29, %get3A_30] : memref<1x128xf32, #tpu.memory_space<vmem>>, vector<1x128xf32>
    %add3A = vector.broadcast %get3A_31 : vector<1x128xf32> to vector<64x128xf32>
    %add3A_32 = arith.addf %dot_general3A_28, %add3A : vector<64x128xf32>
    %ge3A = arith.constant 0.000000e+00 : f32
    %ge3A_33 = vector.broadcast %ge3A : f32 to vector<64x128xf32>
    %ge3A_34 = arith.cmpf oge, %add3A_32, %ge3A_33 : vector<64x128xf32>
    %mul3A = arith.constant 0.00999999977 : f32
    %mul3A_35 = vector.broadcast %mul3A : f32 to vector<64x128xf32>
    %mul3A_36 = arith.mulf %mul3A_35, %add3A_32 : vector<64x128xf32>
    %select_n3A = arith.select %ge3A_34, %add3A_32, %mul3A_36 : vector<64x128xi1>, vector<64x128xf32>
    %get3A_37 = arith.constant 0 : index
    %get3A_38 = arith.constant 0 : index
    %get3A_39 = vector.load %arg8[%get3A_37, %get3A_38] : memref<128x128xf32, #tpu.memory_space<vmem>>, vector<128x128xf32>
    %dot_general3A_40 = arith.constant dense<0.000000e+00> : vector<64x128xf32>
    %dot_general3A_41 = tpu.matmul %div3A_24, %get3A_39, %dot_general3A_40 {dimension_numbers = #tpu.dot_dimension_numbers<[1], [1], [0], [0], [0, 0, 1, 0], [], []>, precision = #tpu.contract_precision<fp32>, transpose_lhs_hint = false} : vector<64x128xf32>, vector<128x128xf32>, vector<64x128xf32> -> vector<64x128xf32>
    %get3A_42 = arith.constant 0 : index
    %get3A_43 = arith.constant 0 : index
    %get3A_44 = vector.load %arg9[%get3A_42, %get3A_43] : memref<1x128xf32, #tpu.memory_space<vmem>>, vector<1x128xf32>
    %add3A_45 = vector.broadcast %get3A_44 : vector<1x128xf32> to vector<64x128xf32>
    %add3A_46 = arith.addf %dot_general3A_41, %add3A_45 : vector<64x128xf32>
    %ge3A_47 = arith.constant 0.000000e+00 : f32
    %ge3A_48 = vector.broadcast %ge3A_47 : f32 to vector<64x128xf32>
    %ge3A_49 = arith.cmpf oge, %add3A_46, %ge3A_48 : vector<64x128xf32>
    %mul3A_50 = arith.constant 0.00999999977 : f32
    %mul3A_51 = vector.broadcast %mul3A_50 : f32 to vector<64x128xf32>
    %mul3A_52 = arith.mulf %mul3A_51, %add3A_46 : vector<64x128xf32>
    %select_n3A_53 = arith.select %ge3A_49, %add3A_46, %mul3A_52 : vector<64x128xi1>, vector<64x128xf32>
    %concatenate3A = tpu.concatenate %select_n3A, %select_n3A_53 in 1 : vector<64x128xf32>, vector<64x128xf32> -> vector<64x256xf32>
    %get3A_54 = arith.constant 0 : index
    %get3A_55 = arith.constant 0 : index
    %get3A_56 = vector.load %arg10[%get3A_54, %get3A_55] : memref<256x256xf32, #tpu.memory_space<vmem>>, vector<256x256xf32>
    %dot_general3A_57 = arith.constant dense<0.000000e+00> : vector<64x256xf32>
    %dot_general3A_58 = tpu.matmul %concatenate3A, %get3A_56, %dot_general3A_57 {dimension_numbers = #tpu.dot_dimension_numbers<[1], [1], [0], [0], [0, 0, 1, 0], [], []>, precision = #tpu.contract_precision<fp32>, transpose_lhs_hint = false} : vector<64x256xf32>, vector<256x256xf32>, vector<64x256xf32> -> vector<64x256xf32>
    %get3A_59 = arith.constant 0 : index
    %get3A_60 = arith.constant 0 : index
    %get3A_61 = vector.load %arg11[%get3A_59, %get3A_60] : memref<1x256xf32, #tpu.memory_space<vmem>>, vector<1x256xf32>
    %add3A_62 = vector.broadcast %get3A_61 : vector<1x256xf32> to vector<64x256xf32>
    %add3A_63 = arith.addf %dot_general3A_58, %add3A_62 : vector<64x256xf32>
    %ge3A_64 = arith.constant 0.000000e+00 : f32
    %ge3A_65 = vector.broadcast %ge3A_64 : f32 to vector<64x256xf32>
    %ge3A_66 = arith.cmpf oge, %add3A_63, %ge3A_65 : vector<64x256xf32>
    %mul3A_67 = arith.constant 0.00999999977 : f32
    %mul3A_68 = vector.broadcast %mul3A_67 : f32 to vector<64x256xf32>
    %mul3A_69 = arith.mulf %mul3A_68, %add3A_63 : vector<64x256xf32>
    %select_n3A_70 = arith.select %ge3A_66, %add3A_63, %mul3A_69 : vector<64x256xi1>, vector<64x256xf32>
    %get3A_71 = arith.constant 0 : index
    %get3A_72 = arith.constant 0 : index
    %get3A_73 = vector.load %arg12[%get3A_71, %get3A_72] : memref<64x256xf32, #tpu.memory_space<vmem>>, vector<64x256xf32>
    %dot_general3A_74 = arith.constant dense<0.000000e+00> : vector<64x64xf32>
    %dot_general3A_75 = tpu.matmul %select_n3A_70, %get3A_73, %dot_general3A_74 {dimension_numbers = #tpu.dot_dimension_numbers<[1], [1], [0], [0], [0, 0, 1, 0], [], []>, precision = #tpu.contract_precision<fp32>, transpose_lhs_hint = false} : vector<64x256xf32>, vector<64x256xf32>, vector<64x64xf32> -> vector<64x64xf32>
    %get3A_76 = arith.constant 0 : index
    %get3A_77 = arith.constant 0 : index
    %get3A_78 = vector.load %arg13[%get3A_76, %get3A_77] : memref<1x64xf32, #tpu.memory_space<vmem>>, vector<1x64xf32>
    %add3A_79 = vector.broadcast %get3A_78 : vector<1x64xf32> to vector<64x64xf32>
    %add3A_80 = arith.addf %dot_general3A_75, %add3A_79 : vector<64x64xf32>
    %ge3A_81 = arith.constant 0.000000e+00 : f32
    %ge3A_82 = vector.broadcast %ge3A_81 : f32 to vector<64x64xf32>
    %ge3A_83 = arith.cmpf oge, %add3A_80, %ge3A_82 : vector<64x64xf32>
    %mul3A_84 = arith.constant 0.00999999977 : f32
    %mul3A_85 = vector.broadcast %mul3A_84 : f32 to vector<64x64xf32>
    %mul3A_86 = arith.mulf %mul3A_85, %add3A_80 : vector<64x64xf32>
    %select_n3A_87 = arith.select %ge3A_83, %add3A_80, %mul3A_86 : vector<64x64xi1>, vector<64x64xf32>
    %iota3A = tpu.iota {dimensions = array<i32: 0>} : vector<400x80xi32>
    %iota3A_88 = tpu.iota {dimensions = array<i32: 1>} : vector<400x80xi32>
    %jit3A = arith.constant 5 : i32
    %div3A_89 = vector.broadcast %jit3A : i32 to vector<400x80xi32>
    %div3A_90 = arith.divsi %iota3A, %div3A_89 : vector<400x80xi32>
    %sign3A = arith.constant 0 : i32
    %sign3A_91 = vector.broadcast %sign3A : i32 to vector<400x80xi32>
    %sign3A_92 = arith.cmpi sgt, %iota3A, %sign3A_91 : vector<400x80xi32>
    %sign3A_93 = arith.extui %sign3A_92 : vector<400x80xi1> to vector<400x80xi32>
    %sign3A_94 = arith.constant 0 : i32
    %sign3A_95 = vector.broadcast %sign3A_94 : i32 to vector<400x80xi32>
    %sign3A_96 = arith.cmpi slt, %iota3A, %sign3A_95 : vector<400x80xi32>
    %sign3A_97 = arith.extui %sign3A_96 : vector<400x80xi1> to vector<400x80xi32>
    %sign3A_98 = arith.subi %sign3A_93, %sign3A_97 : vector<400x80xi32>
    %sign3A_99 = arith.constant 0 : i32
    %sign3A_100 = arith.cmpi sgt, %jit3A, %sign3A_99 : i32
    %sign3A_101 = arith.extui %sign3A_100 : i1 to i32
    %sign3A_102 = arith.constant 0 : i32
    %sign3A_103 = arith.cmpi slt, %jit3A, %sign3A_102 : i32
    %sign3A_104 = arith.extui %sign3A_103 : i1 to i32
    %sign3A_105 = arith.subi %sign3A_101, %sign3A_104 : i32
    %ne3A = vector.broadcast %sign3A_105 : i32 to vector<400x80xi32>
    %ne3A_106 = arith.cmpi ne, %sign3A_98, %ne3A : vector<400x80xi32>
    %rem3A = vector.broadcast %jit3A : i32 to vector<400x80xi32>
    %rem3A_107 = arith.remsi %iota3A, %rem3A : vector<400x80xi32>
    %ne3A_108 = arith.constant 0 : i32
    %ne3A_109 = vector.broadcast %ne3A_108 : i32 to vector<400x80xi32>
    %ne3A_110 = arith.cmpi ne, %rem3A_107, %ne3A_109 : vector<400x80xi32>
    %and3A = arith.andi %ne3A_106, %ne3A_110 : vector<400x80xi1>
    %sub3A = arith.constant 1 : i32
    %sub3A_111 = vector.broadcast %sub3A : i32 to vector<400x80xi32>
    %sub3A_112 = arith.subi %div3A_90, %sub3A_111 : vector<400x80xi32>
    %select_n3A_113 = arith.select %and3A, %sub3A_112, %div3A_90 : vector<400x80xi1>, vector<400x80xi32>
    %eq3A = arith.cmpi eq, %select_n3A_113, %iota3A_88 : vector<400x80xi32>
    %jit3A_114 = arith.constant 1.000000e-01 : f32
    %jit3A_115 = arith.constant 0.000000e+00 : f32
    %broadcast_in_dim3A = vector.broadcast %jit3A_114 : f32 to vector<400x80xf32>
    %broadcast_in_dim3A_116 = vector.broadcast %jit3A_115 : f32 to vector<400x80xf32>
    %select_n3A_117 = arith.select %eq3A, %broadcast_in_dim3A, %broadcast_in_dim3A_116 : vector<400x80xi1>, vector<400x80xf32>
    %get3A_118 = arith.constant 0 : index
    %get3A_119 = arith.constant 0 : index
    %get3A_120 = arith.constant 0 : index
    %get3A_121 = vector.load %arg2[%get3A_118, %get3A_119, %get3A_120] : memref<64x16x400xf32, #tpu.memory_space<vmem>>, vector<64x1x400xf32>
    %get3A_122 = vector.shape_cast %get3A_121 : vector<64x1x400xf32> to vector<64x400xf32>
    %get3A_123 = arith.constant 0 : index
    %get3A_124 = arith.constant 0 : index
    %get3A_125 = arith.constant 0 : index
    %get3A_126 = vector.load %arg3[%get3A_123, %get3A_124, %get3A_125] : memref<64x16x400xf32, #tpu.memory_space<vmem>>, vector<64x1x400xf32>
    %get3A_127 = vector.shape_cast %get3A_126 : vector<64x1x400xf32> to vector<64x400xf32>
    %get3A_128 = arith.constant 0 : index
    %get3A_129 = arith.constant 1 : index
    %get3A_130 = arith.constant 0 : index
    %get3A_131 = vector.load %arg2[%get3A_128, %get3A_129, %get3A_130] : memref<64x16x400xf32, #tpu.memory_space<vmem>>, vector<64x1x400xf32>
    %get3A_132 = vector.shape_cast %get3A_131 : vector<64x1x400xf32> to vector<64x400xf32>
    %add3A_133 = arith.addf %get3A_122, %get3A_132 : vector<64x400xf32>
    %get3A_134 = arith.constant 0 : index
    %get3A_135 = arith.constant 1 : index
    %get3A_136 = arith.constant 0 : index
    %get3A_137 = vector.load %arg3[%get3A_134, %get3A_135, %get3A_136] : memref<64x16x400xf32, #tpu.memory_space<vmem>>, vector<64x1x400xf32>
    %get3A_138 = vector.shape_cast %get3A_137 : vector<64x1x400xf32> to vector<64x400xf32>
    %add3A_139 = arith.addf %get3A_127, %get3A_138 : vector<64x400xf32>
    %get3A_140 = arith.constant 0 : index
    %get3A_141 = arith.constant 2 : index
    %get3A_142 = arith.constant 0 : index
    %get3A_143 = vector.load %arg2[%get3A_140, %get3A_141, %get3A_142] : memref<64x16x400xf32, #tpu.memory_space<vmem>>, vector<64x1x400xf32>
    %get3A_144 = vector.shape_cast %get3A_143 : vector<64x1x400xf32> to vector<64x400xf32>
    %add3A_145 = arith.addf %add3A_133, %get3A_144 : vector<64x400xf32>
    %get3A_146 = arith.constant 0 : index
    %get3A_147 = arith.constant 2 : index
    %get3A_148 = arith.constant 0 : index
    %get3A_149 = vector.load %arg3[%get3A_146, %get3A_147, %get3A_148] : memref<64x16x400xf32, #tpu.memory_space<vmem>>, vector<64x1x400xf32>
    %get3A_150 = vector.shape_cast %get3A_149 : vector<64x1x400xf32> to vector<64x400xf32>
    %add3A_151 = arith.addf %add3A_139, %get3A_150 : vector<64x400xf32>
    %get3A_152 = arith.constant 0 : index
    %get3A_153 = arith.constant 3 : index
    %get3A_154 = arith.constant 0 : index
    %get3A_155 = vector.load %arg2[%get3A_152, %get3A_153, %get3A_154] : memref<64x16x400xf32, #tpu.memory_space<vmem>>, vector<64x1x400xf32>
    %get3A_156 = vector.shape_cast %get3A_155 : vector<64x1x400xf32> to vector<64x400xf32>
    %add3A_157 = arith.addf %add3A_145, %get3A_156 : vector<64x400xf32>
    %get3A_158 = arith.constant 0 : index
    %get3A_159 = arith.constant 3 : index
    %get3A_160 = arith.constant 0 : index
    %get3A_161 = vector.load %arg3[%get3A_158, %get3A_159, %get3A_160] : memref<64x16x400xf32, #tpu.memory_space<vmem>>, vector<64x1x400xf32>
    %get3A_162 = vector.shape_cast %get3A_161 : vector<64x1x400xf32> to vector<64x400xf32>
    %add3A_163 = arith.addf %add3A_151, %get3A_162 : vector<64x400xf32>
    %get3A_164 = arith.constant 0 : index
    %get3A_165 = arith.constant 4 : index
    %get3A_166 = arith.constant 0 : index
    %get3A_167 = vector.load %arg2[%get3A_164, %get3A_165, %get3A_166] : memref<64x16x400xf32, #tpu.memory_space<vmem>>, vector<64x1x400xf32>
    %get3A_168 = vector.shape_cast %get3A_167 : vector<64x1x400xf32> to vector<64x400xf32>
    %add3A_169 = arith.addf %add3A_157, %get3A_168 : vector<64x400xf32>
    %get3A_170 = arith.constant 0 : index
    %get3A_171 = arith.constant 4 : index
    %get3A_172 = arith.constant 0 : index
    %get3A_173 = vector.load %arg3[%get3A_170, %get3A_171, %get3A_172] : memref<64x16x400xf32, #tpu.memory_space<vmem>>, vector<64x1x400xf32>
    %get3A_174 = vector.shape_cast %get3A_173 : vector<64x1x400xf32> to vector<64x400xf32>
    %add3A_175 = arith.addf %add3A_163, %get3A_174 : vector<64x400xf32>
    %get3A_176 = arith.constant 0 : index
    %get3A_177 = arith.constant 5 : index
    %get3A_178 = arith.constant 0 : index
    %get3A_179 = vector.load %arg2[%get3A_176, %get3A_177, %get3A_178] : memref<64x16x400xf32, #tpu.memory_space<vmem>>, vector<64x1x400xf32>
    %get3A_180 = vector.shape_cast %get3A_179 : vector<64x1x400xf32> to vector<64x400xf32>
    %add3A_181 = arith.addf %add3A_169, %get3A_180 : vector<64x400xf32>
    %get3A_182 = arith.constant 0 : index
    %get3A_183 = arith.constant 5 : index
    %get3A_184 = arith.constant 0 : index
    %get3A_185 = vector.load %arg3[%get3A_182, %get3A_183, %get3A_184] : memref<64x16x400xf32, #tpu.memory_space<vmem>>, vector<64x1x400xf32>
    %get3A_186 = vector.shape_cast %get3A_185 : vector<64x1x400xf32> to vector<64x400xf32>
    %add3A_187 = arith.addf %add3A_175, %get3A_186 : vector<64x400xf32>
    %get3A_188 = arith.constant 0 : index
    %get3A_189 = arith.constant 6 : index
    %get3A_190 = arith.constant 0 : index
    %get3A_191 = vector.load %arg2[%get3A_188, %get3A_189, %get3A_190] : memref<64x16x400xf32, #tpu.memory_space<vmem>>, vector<64x1x400xf32>
    %get3A_192 = vector.shape_cast %get3A_191 : vector<64x1x400xf32> to vector<64x400xf32>
    %add3A_193 = arith.addf %add3A_181, %get3A_192 : vector<64x400xf32>
    %get3A_194 = arith.constant 0 : index
    %get3A_195 = arith.constant 6 : index
    %get3A_196 = arith.constant 0 : index
    %get3A_197 = vector.load %arg3[%get3A_194, %get3A_195, %get3A_196] : memref<64x16x400xf32, #tpu.memory_space<vmem>>, vector<64x1x400xf32>
    %get3A_198 = vector.shape_cast %get3A_197 : vector<64x1x400xf32> to vector<64x400xf32>
    %add3A_199 = arith.addf %add3A_187, %get3A_198 : vector<64x400xf32>
    %get3A_200 = arith.constant 0 : index
    %get3A_201 = arith.constant 7 : index
    %get3A_202 = arith.constant 0 : index
    %get3A_203 = vector.load %arg2[%get3A_200, %get3A_201, %get3A_202] : memref<64x16x400xf32, #tpu.memory_space<vmem>>, vector<64x1x400xf32>
    %get3A_204 = vector.shape_cast %get3A_203 : vector<64x1x400xf32> to vector<64x400xf32>
    %add3A_205 = arith.addf %add3A_193, %get3A_204 : vector<64x400xf32>
    %get3A_206 = arith.constant 0 : index
    %get3A_207 = arith.constant 7 : index
    %get3A_208 = arith.constant 0 : index
    %get3A_209 = vector.load %arg3[%get3A_206, %get3A_207, %get3A_208] : memref<64x16x400xf32, #tpu.memory_space<vmem>>, vector<64x1x400xf32>
    %get3A_210 = vector.shape_cast %get3A_209 : vector<64x1x400xf32> to vector<64x400xf32>
    %add3A_211 = arith.addf %add3A_199, %get3A_210 : vector<64x400xf32>
    %get3A_212 = arith.constant 0 : index
    %get3A_213 = arith.constant 8 : index
    %get3A_214 = arith.constant 0 : index
    %get3A_215 = vector.load %arg2[%get3A_212, %get3A_213, %get3A_214] : memref<64x16x400xf32, #tpu.memory_space<vmem>>, vector<64x1x400xf32>
    %get3A_216 = vector.shape_cast %get3A_215 : vector<64x1x400xf32> to vector<64x400xf32>
    %add3A_217 = arith.addf %add3A_205, %get3A_216 : vector<64x400xf32>
    %get3A_218 = arith.constant 0 : index
    %get3A_219 = arith.constant 8 : index
    %get3A_220 = arith.constant 0 : index
    %get3A_221 = vector.load %arg3[%get3A_218, %get3A_219, %get3A_220] : memref<64x16x400xf32, #tpu.memory_space<vmem>>, vector<64x1x400xf32>
    %get3A_222 = vector.shape_cast %get3A_221 : vector<64x1x400xf32> to vector<64x400xf32>
    %add3A_223 = arith.addf %add3A_211, %get3A_222 : vector<64x400xf32>
    %get3A_224 = arith.constant 0 : index
    %get3A_225 = arith.constant 9 : index
    %get3A_226 = arith.constant 0 : index
    %get3A_227 = vector.load %arg2[%get3A_224, %get3A_225, %get3A_226] : memref<64x16x400xf32, #tpu.memory_space<vmem>>, vector<64x1x400xf32>
    %get3A_228 = vector.shape_cast %get3A_227 : vector<64x1x400xf32> to vector<64x400xf32>
    %add3A_229 = arith.addf %add3A_217, %get3A_228 : vector<64x400xf32>
    %get3A_230 = arith.constant 0 : index
    %get3A_231 = arith.constant 9 : index
    %get3A_232 = arith.constant 0 : index
    %get3A_233 = vector.load %arg3[%get3A_230, %get3A_231, %get3A_232] : memref<64x16x400xf32, #tpu.memory_space<vmem>>, vector<64x1x400xf32>
    %get3A_234 = vector.shape_cast %get3A_233 : vector<64x1x400xf32> to vector<64x400xf32>
    %add3A_235 = arith.addf %add3A_223, %get3A_234 : vector<64x400xf32>
    %get3A_236 = arith.constant 0 : index
    %get3A_237 = arith.constant 10 : index
    %get3A_238 = arith.constant 0 : index
    %get3A_239 = vector.load %arg2[%get3A_236, %get3A_237, %get3A_238] : memref<64x16x400xf32, #tpu.memory_space<vmem>>, vector<64x1x400xf32>
    %get3A_240 = vector.shape_cast %get3A_239 : vector<64x1x400xf32> to vector<64x400xf32>
    %add3A_241 = arith.addf %add3A_229, %get3A_240 : vector<64x400xf32>
    %get3A_242 = arith.constant 0 : index
    %get3A_243 = arith.constant 10 : index
    %get3A_244 = arith.constant 0 : index
    %get3A_245 = vector.load %arg3[%get3A_242, %get3A_243, %get3A_244] : memref<64x16x400xf32, #tpu.memory_space<vmem>>, vector<64x1x400xf32>
    %get3A_246 = vector.shape_cast %get3A_245 : vector<64x1x400xf32> to vector<64x400xf32>
    %add3A_247 = arith.addf %add3A_235, %get3A_246 : vector<64x400xf32>
    %get3A_248 = arith.constant 0 : index
    %get3A_249 = arith.constant 11 : index
    %get3A_250 = arith.constant 0 : index
    %get3A_251 = vector.load %arg2[%get3A_248, %get3A_249, %get3A_250] : memref<64x16x400xf32, #tpu.memory_space<vmem>>, vector<64x1x400xf32>
    %get3A_252 = vector.shape_cast %get3A_251 : vector<64x1x400xf32> to vector<64x400xf32>
    %add3A_253 = arith.addf %add3A_241, %get3A_252 : vector<64x400xf32>
    %get3A_254 = arith.constant 0 : index
    %get3A_255 = arith.constant 11 : index
    %get3A_256 = arith.constant 0 : index
    %get3A_257 = vector.load %arg3[%get3A_254, %get3A_255, %get3A_256] : memref<64x16x400xf32, #tpu.memory_space<vmem>>, vector<64x1x400xf32>
    %get3A_258 = vector.shape_cast %get3A_257 : vector<64x1x400xf32> to vector<64x400xf32>
    %add3A_259 = arith.addf %add3A_247, %get3A_258 : vector<64x400xf32>
    %get3A_260 = arith.constant 0 : index
    %get3A_261 = arith.constant 12 : index
    %get3A_262 = arith.constant 0 : index
    %get3A_263 = vector.load %arg2[%get3A_260, %get3A_261, %get3A_262] : memref<64x16x400xf32, #tpu.memory_space<vmem>>, vector<64x1x400xf32>
    %get3A_264 = vector.shape_cast %get3A_263 : vector<64x1x400xf32> to vector<64x400xf32>
    %add3A_265 = arith.addf %add3A_253, %get3A_264 : vector<64x400xf32>
    %get3A_266 = arith.constant 0 : index
    %get3A_267 = arith.constant 12 : index
    %get3A_268 = arith.constant 0 : index
    %get3A_269 = vector.load %arg3[%get3A_266, %get3A_267, %get3A_268] : memref<64x16x400xf32, #tpu.memory_space<vmem>>, vector<64x1x400xf32>
    %get3A_270 = vector.shape_cast %get3A_269 : vector<64x1x400xf32> to vector<64x400xf32>
    %add3A_271 = arith.addf %add3A_259, %get3A_270 : vector<64x400xf32>
    %get3A_272 = arith.constant 0 : index
    %get3A_273 = arith.constant 13 : index
    %get3A_274 = arith.constant 0 : index
    %get3A_275 = vector.load %arg2[%get3A_272, %get3A_273, %get3A_274] : memref<64x16x400xf32, #tpu.memory_space<vmem>>, vector<64x1x400xf32>
    %get3A_276 = vector.shape_cast %get3A_275 : vector<64x1x400xf32> to vector<64x400xf32>
    %add3A_277 = arith.addf %add3A_265, %get3A_276 : vector<64x400xf32>
    %get3A_278 = arith.constant 0 : index
    %get3A_279 = arith.constant 13 : index
    %get3A_280 = arith.constant 0 : index
    %get3A_281 = vector.load %arg3[%get3A_278, %get3A_279, %get3A_280] : memref<64x16x400xf32, #tpu.memory_space<vmem>>, vector<64x1x400xf32>
    %get3A_282 = vector.shape_cast %get3A_281 : vector<64x1x400xf32> to vector<64x400xf32>
    %add3A_283 = arith.addf %add3A_271, %get3A_282 : vector<64x400xf32>
    %get3A_284 = arith.constant 0 : index
    %get3A_285 = arith.constant 14 : index
    %get3A_286 = arith.constant 0 : index
    %get3A_287 = vector.load %arg2[%get3A_284, %get3A_285, %get3A_286] : memref<64x16x400xf32, #tpu.memory_space<vmem>>, vector<64x1x400xf32>
    %get3A_288 = vector.shape_cast %get3A_287 : vector<64x1x400xf32> to vector<64x400xf32>
    %add3A_289 = arith.addf %add3A_277, %get3A_288 : vector<64x400xf32>
    %get3A_290 = arith.constant 0 : index
    %get3A_291 = arith.constant 14 : index
    %get3A_292 = arith.constant 0 : index
    %get3A_293 = vector.load %arg3[%get3A_290, %get3A_291, %get3A_292] : memref<64x16x400xf32, #tpu.memory_space<vmem>>, vector<64x1x400xf32>
    %get3A_294 = vector.shape_cast %get3A_293 : vector<64x1x400xf32> to vector<64x400xf32>
    %add3A_295 = arith.addf %add3A_283, %get3A_294 : vector<64x400xf32>
    %get3A_296 = arith.constant 0 : index
    %get3A_297 = arith.constant 15 : index
    %get3A_298 = arith.constant 0 : index
    %get3A_299 = vector.load %arg2[%get3A_296, %get3A_297, %get3A_298] : memref<64x16x400xf32, #tpu.memory_space<vmem>>, vector<64x1x400xf32>
    %get3A_300 = vector.shape_cast %get3A_299 : vector<64x1x400xf32> to vector<64x400xf32>
    %add3A_301 = arith.addf %add3A_289, %get3A_300 : vector<64x400xf32>
    %get3A_302 = arith.constant 0 : index
    %get3A_303 = arith.constant 15 : index
    %get3A_304 = arith.constant 0 : index
    %get3A_305 = vector.load %arg3[%get3A_302, %get3A_303, %get3A_304] : memref<64x16x400xf32, #tpu.memory_space<vmem>>, vector<64x1x400xf32>
    %get3A_306 = vector.shape_cast %get3A_305 : vector<64x1x400xf32> to vector<64x400xf32>
    %add3A_307 = arith.addf %add3A_295, %get3A_306 : vector<64x400xf32>
    %get3A_308 = arith.constant 0 : index
    %get3A_309 = arith.constant 0 : index
    %get3A_310 = vector.load %arg20[%get3A_308, %get3A_309] : memref<1x8xf32, #tpu.memory_space<vmem>>, vector<1x1xf32>
    %get3A_311 = vector.extract %get3A_310[0, 0] : f32 from vector<1x1xf32>
    %div3A_312 = arith.constant 1.600000e+01 : f32
    %div3A_313 = arith.divf %get3A_311, %div3A_312 : f32
    %mul3A_314 = vector.broadcast %div3A_313 : f32 to vector<64x400xf32>
    %mul3A_315 = arith.mulf %add3A_301, %mul3A_314 : vector<64x400xf32>
    %get3A_316 = arith.constant 0 : index
    %get3A_317 = arith.constant 1 : index
    %get3A_318 = vector.load %arg20[%get3A_316, %get3A_317] : memref<1x8xf32, #tpu.memory_space<vmem>>, vector<1x1xf32>
    %get3A_319 = vector.extract %get3A_318[0, 0] : f32 from vector<1x1xf32>
    %add3A_320 = vector.broadcast %get3A_319 : f32 to vector<64x400xf32>
    %add3A_321 = arith.addf %mul3A_315, %add3A_320 : vector<64x400xf32>
    %max3A_322 = arith.constant 0.000000e+00 : f32
    %max3A_323 = vector.broadcast %max3A_322 : f32 to vector<64x400xf32>
    %max3A_324 = arith.maximumf %add3A_321, %max3A_323 : vector<64x400xf32>
    %get3A_325 = arith.constant 0 : index
    %get3A_326 = arith.constant 2 : index
    %get3A_327 = vector.load %arg20[%get3A_325, %get3A_326] : memref<1x8xf32, #tpu.memory_space<vmem>>, vector<1x1xf32>
    %get3A_328 = vector.extract %get3A_327[0, 0] : f32 from vector<1x1xf32>
    %div3A_329 = arith.constant 1.600000e+01 : f32
    %div3A_330 = arith.divf %get3A_328, %div3A_329 : f32
    %mul3A_331 = vector.broadcast %div3A_330 : f32 to vector<64x400xf32>
    %mul3A_332 = arith.mulf %add3A_307, %mul3A_331 : vector<64x400xf32>
    %get3A_333 = arith.constant 0 : index
    %get3A_334 = arith.constant 3 : index
    %get3A_335 = vector.load %arg20[%get3A_333, %get3A_334] : memref<1x8xf32, #tpu.memory_space<vmem>>, vector<1x1xf32>
    %get3A_336 = vector.extract %get3A_335[0, 0] : f32 from vector<1x1xf32>
    %add3A_337 = vector.broadcast %get3A_336 : f32 to vector<64x400xf32>
    %add3A_338 = arith.addf %mul3A_332, %add3A_337 : vector<64x400xf32>
    %max3A_339 = arith.constant 0.000000e+00 : f32
    %max3A_340 = vector.broadcast %max3A_339 : f32 to vector<64x400xf32>
    %max3A_341 = arith.maximumf %add3A_338, %max3A_340 : vector<64x400xf32>
    %add3A_342 = arith.addf %max3A_324, %max3A_341 : vector<64x400xf32>
    %dot_general3A_343 = arith.constant dense<0.000000e+00> : vector<64x80xf32>
    %dot_general3A_344 = tpu.matmul %add3A_342, %select_n3A_117, %dot_general3A_343 {dimension_numbers = #tpu.dot_dimension_numbers<[1], [0], [0], [1], [0, 0, 1, 1], [], []>, precision = #tpu.contract_precision<fp32>, transpose_lhs_hint = false} : vector<64x400xf32>, vector<400x80xf32>, vector<64x80xf32> -> vector<64x80xf32>
    %get3A_345 = arith.constant 0 : index
    %get3A_346 = arith.constant 0 : index
    %get3A_347 = vector.load %arg14[%get3A_345, %get3A_346] : memref<64x80xf32, #tpu.memory_space<vmem>>, vector<64x80xf32>
    %dot_general3A_348 = arith.constant dense<0.000000e+00> : vector<64x64xf32>
    %dot_general3A_349 = tpu.matmul %dot_general3A_344, %get3A_347, %dot_general3A_348 {dimension_numbers = #tpu.dot_dimension_numbers<[1], [1], [0], [0], [0, 0, 1, 0], [], []>, precision = #tpu.contract_precision<fp32>, transpose_lhs_hint = false} : vector<64x80xf32>, vector<64x80xf32>, vector<64x64xf32> -> vector<64x64xf32>
    %get3A_350 = arith.constant 0 : index
    %get3A_351 = arith.constant 0 : index
    %get3A_352 = vector.load %arg15[%get3A_350, %get3A_351] : memref<1x64xf32, #tpu.memory_space<vmem>>, vector<1x64xf32>
    %add3A_353 = vector.broadcast %get3A_352 : vector<1x64xf32> to vector<64x64xf32>
    %add3A_354 = arith.addf %dot_general3A_349, %add3A_353 : vector<64x64xf32>
    %get3A_355 = arith.constant 0 : index
    %get3A_356 = arith.constant 0 : index
    %get3A_357 = arith.constant 0 : index
    %get3A_358 = vector.load %arg4[%get3A_355, %get3A_356, %get3A_357] : memref<64x16x400xf32, #tpu.memory_space<vmem>>, vector<64x1x400xf32>
    %get3A_359 = vector.shape_cast %get3A_358 : vector<64x1x400xf32> to vector<64x400xf32>
    %get3A_360 = arith.constant 0 : index
    %get3A_361 = arith.constant 0 : index
    %get3A_362 = arith.constant 0 : index
    %get3A_363 = vector.load %arg5[%get3A_360, %get3A_361, %get3A_362] : memref<64x16x400xf32, #tpu.memory_space<vmem>>, vector<64x1x400xf32>
    %get3A_364 = vector.shape_cast %get3A_363 : vector<64x1x400xf32> to vector<64x400xf32>
    %get3A_365 = arith.constant 0 : index
    %get3A_366 = arith.constant 1 : index
    %get3A_367 = arith.constant 0 : index
    %get3A_368 = vector.load %arg4[%get3A_365, %get3A_366, %get3A_367] : memref<64x16x400xf32, #tpu.memory_space<vmem>>, vector<64x1x400xf32>
    %get3A_369 = vector.shape_cast %get3A_368 : vector<64x1x400xf32> to vector<64x400xf32>
    %add3A_370 = arith.addf %get3A_359, %get3A_369 : vector<64x400xf32>
    %get3A_371 = arith.constant 0 : index
    %get3A_372 = arith.constant 1 : index
    %get3A_373 = arith.constant 0 : index
    %get3A_374 = vector.load %arg5[%get3A_371, %get3A_372, %get3A_373] : memref<64x16x400xf32, #tpu.memory_space<vmem>>, vector<64x1x400xf32>
    %get3A_375 = vector.shape_cast %get3A_374 : vector<64x1x400xf32> to vector<64x400xf32>
    %add3A_376 = arith.addf %get3A_364, %get3A_375 : vector<64x400xf32>
    %get3A_377 = arith.constant 0 : index
    %get3A_378 = arith.constant 2 : index
    %get3A_379 = arith.constant 0 : index
    %get3A_380 = vector.load %arg4[%get3A_377, %get3A_378, %get3A_379] : memref<64x16x400xf32, #tpu.memory_space<vmem>>, vector<64x1x400xf32>
    %get3A_381 = vector.shape_cast %get3A_380 : vector<64x1x400xf32> to vector<64x400xf32>
    %add3A_382 = arith.addf %add3A_370, %get3A_381 : vector<64x400xf32>
    %get3A_383 = arith.constant 0 : index
    %get3A_384 = arith.constant 2 : index
    %get3A_385 = arith.constant 0 : index
    %get3A_386 = vector.load %arg5[%get3A_383, %get3A_384, %get3A_385] : memref<64x16x400xf32, #tpu.memory_space<vmem>>, vector<64x1x400xf32>
    %get3A_387 = vector.shape_cast %get3A_386 : vector<64x1x400xf32> to vector<64x400xf32>
    %add3A_388 = arith.addf %add3A_376, %get3A_387 : vector<64x400xf32>
    %get3A_389 = arith.constant 0 : index
    %get3A_390 = arith.constant 3 : index
    %get3A_391 = arith.constant 0 : index
    %get3A_392 = vector.load %arg4[%get3A_389, %get3A_390, %get3A_391] : memref<64x16x400xf32, #tpu.memory_space<vmem>>, vector<64x1x400xf32>
    %get3A_393 = vector.shape_cast %get3A_392 : vector<64x1x400xf32> to vector<64x400xf32>
    %add3A_394 = arith.addf %add3A_382, %get3A_393 : vector<64x400xf32>
    %get3A_395 = arith.constant 0 : index
    %get3A_396 = arith.constant 3 : index
    %get3A_397 = arith.constant 0 : index
    %get3A_398 = vector.load %arg5[%get3A_395, %get3A_396, %get3A_397] : memref<64x16x400xf32, #tpu.memory_space<vmem>>, vector<64x1x400xf32>
    %get3A_399 = vector.shape_cast %get3A_398 : vector<64x1x400xf32> to vector<64x400xf32>
    %add3A_400 = arith.addf %add3A_388, %get3A_399 : vector<64x400xf32>
    %get3A_401 = arith.constant 0 : index
    %get3A_402 = arith.constant 4 : index
    %get3A_403 = arith.constant 0 : index
    %get3A_404 = vector.load %arg4[%get3A_401, %get3A_402, %get3A_403] : memref<64x16x400xf32, #tpu.memory_space<vmem>>, vector<64x1x400xf32>
    %get3A_405 = vector.shape_cast %get3A_404 : vector<64x1x400xf32> to vector<64x400xf32>
    %add3A_406 = arith.addf %add3A_394, %get3A_405 : vector<64x400xf32>
    %get3A_407 = arith.constant 0 : index
    %get3A_408 = arith.constant 4 : index
    %get3A_409 = arith.constant 0 : index
    %get3A_410 = vector.load %arg5[%get3A_407, %get3A_408, %get3A_409] : memref<64x16x400xf32, #tpu.memory_space<vmem>>, vector<64x1x400xf32>
    %get3A_411 = vector.shape_cast %get3A_410 : vector<64x1x400xf32> to vector<64x400xf32>
    %add3A_412 = arith.addf %add3A_400, %get3A_411 : vector<64x400xf32>
    %get3A_413 = arith.constant 0 : index
    %get3A_414 = arith.constant 5 : index
    %get3A_415 = arith.constant 0 : index
    %get3A_416 = vector.load %arg4[%get3A_413, %get3A_414, %get3A_415] : memref<64x16x400xf32, #tpu.memory_space<vmem>>, vector<64x1x400xf32>
    %get3A_417 = vector.shape_cast %get3A_416 : vector<64x1x400xf32> to vector<64x400xf32>
    %add3A_418 = arith.addf %add3A_406, %get3A_417 : vector<64x400xf32>
    %get3A_419 = arith.constant 0 : index
    %get3A_420 = arith.constant 5 : index
    %get3A_421 = arith.constant 0 : index
    %get3A_422 = vector.load %arg5[%get3A_419, %get3A_420, %get3A_421] : memref<64x16x400xf32, #tpu.memory_space<vmem>>, vector<64x1x400xf32>
    %get3A_423 = vector.shape_cast %get3A_422 : vector<64x1x400xf32> to vector<64x400xf32>
    %add3A_424 = arith.addf %add3A_412, %get3A_423 : vector<64x400xf32>
    %get3A_425 = arith.constant 0 : index
    %get3A_426 = arith.constant 6 : index
    %get3A_427 = arith.constant 0 : index
    %get3A_428 = vector.load %arg4[%get3A_425, %get3A_426, %get3A_427] : memref<64x16x400xf32, #tpu.memory_space<vmem>>, vector<64x1x400xf32>
    %get3A_429 = vector.shape_cast %get3A_428 : vector<64x1x400xf32> to vector<64x400xf32>
    %add3A_430 = arith.addf %add3A_418, %get3A_429 : vector<64x400xf32>
    %get3A_431 = arith.constant 0 : index
    %get3A_432 = arith.constant 6 : index
    %get3A_433 = arith.constant 0 : index
    %get3A_434 = vector.load %arg5[%get3A_431, %get3A_432, %get3A_433] : memref<64x16x400xf32, #tpu.memory_space<vmem>>, vector<64x1x400xf32>
    %get3A_435 = vector.shape_cast %get3A_434 : vector<64x1x400xf32> to vector<64x400xf32>
    %add3A_436 = arith.addf %add3A_424, %get3A_435 : vector<64x400xf32>
    %get3A_437 = arith.constant 0 : index
    %get3A_438 = arith.constant 7 : index
    %get3A_439 = arith.constant 0 : index
    %get3A_440 = vector.load %arg4[%get3A_437, %get3A_438, %get3A_439] : memref<64x16x400xf32, #tpu.memory_space<vmem>>, vector<64x1x400xf32>
    %get3A_441 = vector.shape_cast %get3A_440 : vector<64x1x400xf32> to vector<64x400xf32>
    %add3A_442 = arith.addf %add3A_430, %get3A_441 : vector<64x400xf32>
    %get3A_443 = arith.constant 0 : index
    %get3A_444 = arith.constant 7 : index
    %get3A_445 = arith.constant 0 : index
    %get3A_446 = vector.load %arg5[%get3A_443, %get3A_444, %get3A_445] : memref<64x16x400xf32, #tpu.memory_space<vmem>>, vector<64x1x400xf32>
    %get3A_447 = vector.shape_cast %get3A_446 : vector<64x1x400xf32> to vector<64x400xf32>
    %add3A_448 = arith.addf %add3A_436, %get3A_447 : vector<64x400xf32>
    %get3A_449 = arith.constant 0 : index
    %get3A_450 = arith.constant 8 : index
    %get3A_451 = arith.constant 0 : index
    %get3A_452 = vector.load %arg4[%get3A_449, %get3A_450, %get3A_451] : memref<64x16x400xf32, #tpu.memory_space<vmem>>, vector<64x1x400xf32>
    %get3A_453 = vector.shape_cast %get3A_452 : vector<64x1x400xf32> to vector<64x400xf32>
    %add3A_454 = arith.addf %add3A_442, %get3A_453 : vector<64x400xf32>
    %get3A_455 = arith.constant 0 : index
    %get3A_456 = arith.constant 8 : index
    %get3A_457 = arith.constant 0 : index
    %get3A_458 = vector.load %arg5[%get3A_455, %get3A_456, %get3A_457] : memref<64x16x400xf32, #tpu.memory_space<vmem>>, vector<64x1x400xf32>
    %get3A_459 = vector.shape_cast %get3A_458 : vector<64x1x400xf32> to vector<64x400xf32>
    %add3A_460 = arith.addf %add3A_448, %get3A_459 : vector<64x400xf32>
    %get3A_461 = arith.constant 0 : index
    %get3A_462 = arith.constant 9 : index
    %get3A_463 = arith.constant 0 : index
    %get3A_464 = vector.load %arg4[%get3A_461, %get3A_462, %get3A_463] : memref<64x16x400xf32, #tpu.memory_space<vmem>>, vector<64x1x400xf32>
    %get3A_465 = vector.shape_cast %get3A_464 : vector<64x1x400xf32> to vector<64x400xf32>
    %add3A_466 = arith.addf %add3A_454, %get3A_465 : vector<64x400xf32>
    %get3A_467 = arith.constant 0 : index
    %get3A_468 = arith.constant 9 : index
    %get3A_469 = arith.constant 0 : index
    %get3A_470 = vector.load %arg5[%get3A_467, %get3A_468, %get3A_469] : memref<64x16x400xf32, #tpu.memory_space<vmem>>, vector<64x1x400xf32>
    %get3A_471 = vector.shape_cast %get3A_470 : vector<64x1x400xf32> to vector<64x400xf32>
    %add3A_472 = arith.addf %add3A_460, %get3A_471 : vector<64x400xf32>
    %get3A_473 = arith.constant 0 : index
    %get3A_474 = arith.constant 10 : index
    %get3A_475 = arith.constant 0 : index
    %get3A_476 = vector.load %arg4[%get3A_473, %get3A_474, %get3A_475] : memref<64x16x400xf32, #tpu.memory_space<vmem>>, vector<64x1x400xf32>
    %get3A_477 = vector.shape_cast %get3A_476 : vector<64x1x400xf32> to vector<64x400xf32>
    %add3A_478 = arith.addf %add3A_466, %get3A_477 : vector<64x400xf32>
    %get3A_479 = arith.constant 0 : index
    %get3A_480 = arith.constant 10 : index
    %get3A_481 = arith.constant 0 : index
    %get3A_482 = vector.load %arg5[%get3A_479, %get3A_480, %get3A_481] : memref<64x16x400xf32, #tpu.memory_space<vmem>>, vector<64x1x400xf32>
    %get3A_483 = vector.shape_cast %get3A_482 : vector<64x1x400xf32> to vector<64x400xf32>
    %add3A_484 = arith.addf %add3A_472, %get3A_483 : vector<64x400xf32>
    %get3A_485 = arith.constant 0 : index
    %get3A_486 = arith.constant 11 : index
    %get3A_487 = arith.constant 0 : index
    %get3A_488 = vector.load %arg4[%get3A_485, %get3A_486, %get3A_487] : memref<64x16x400xf32, #tpu.memory_space<vmem>>, vector<64x1x400xf32>
    %get3A_489 = vector.shape_cast %get3A_488 : vector<64x1x400xf32> to vector<64x400xf32>
    %add3A_490 = arith.addf %add3A_478, %get3A_489 : vector<64x400xf32>
    %get3A_491 = arith.constant 0 : index
    %get3A_492 = arith.constant 11 : index
    %get3A_493 = arith.constant 0 : index
    %get3A_494 = vector.load %arg5[%get3A_491, %get3A_492, %get3A_493] : memref<64x16x400xf32, #tpu.memory_space<vmem>>, vector<64x1x400xf32>
    %get3A_495 = vector.shape_cast %get3A_494 : vector<64x1x400xf32> to vector<64x400xf32>
    %add3A_496 = arith.addf %add3A_484, %get3A_495 : vector<64x400xf32>
    %get3A_497 = arith.constant 0 : index
    %get3A_498 = arith.constant 12 : index
    %get3A_499 = arith.constant 0 : index
    %get3A_500 = vector.load %arg4[%get3A_497, %get3A_498, %get3A_499] : memref<64x16x400xf32, #tpu.memory_space<vmem>>, vector<64x1x400xf32>
    %get3A_501 = vector.shape_cast %get3A_500 : vector<64x1x400xf32> to vector<64x400xf32>
    %add3A_502 = arith.addf %add3A_490, %get3A_501 : vector<64x400xf32>
    %get3A_503 = arith.constant 0 : index
    %get3A_504 = arith.constant 12 : index
    %get3A_505 = arith.constant 0 : index
    %get3A_506 = vector.load %arg5[%get3A_503, %get3A_504, %get3A_505] : memref<64x16x400xf32, #tpu.memory_space<vmem>>, vector<64x1x400xf32>
    %get3A_507 = vector.shape_cast %get3A_506 : vector<64x1x400xf32> to vector<64x400xf32>
    %add3A_508 = arith.addf %add3A_496, %get3A_507 : vector<64x400xf32>
    %get3A_509 = arith.constant 0 : index
    %get3A_510 = arith.constant 13 : index
    %get3A_511 = arith.constant 0 : index
    %get3A_512 = vector.load %arg4[%get3A_509, %get3A_510, %get3A_511] : memref<64x16x400xf32, #tpu.memory_space<vmem>>, vector<64x1x400xf32>
    %get3A_513 = vector.shape_cast %get3A_512 : vector<64x1x400xf32> to vector<64x400xf32>
    %add3A_514 = arith.addf %add3A_502, %get3A_513 : vector<64x400xf32>
    %get3A_515 = arith.constant 0 : index
    %get3A_516 = arith.constant 13 : index
    %get3A_517 = arith.constant 0 : index
    %get3A_518 = vector.load %arg5[%get3A_515, %get3A_516, %get3A_517] : memref<64x16x400xf32, #tpu.memory_space<vmem>>, vector<64x1x400xf32>
    %get3A_519 = vector.shape_cast %get3A_518 : vector<64x1x400xf32> to vector<64x400xf32>
    %add3A_520 = arith.addf %add3A_508, %get3A_519 : vector<64x400xf32>
    %get3A_521 = arith.constant 0 : index
    %get3A_522 = arith.constant 14 : index
    %get3A_523 = arith.constant 0 : index
    %get3A_524 = vector.load %arg4[%get3A_521, %get3A_522, %get3A_523] : memref<64x16x400xf32, #tpu.memory_space<vmem>>, vector<64x1x400xf32>
    %get3A_525 = vector.shape_cast %get3A_524 : vector<64x1x400xf32> to vector<64x400xf32>
    %add3A_526 = arith.addf %add3A_514, %get3A_525 : vector<64x400xf32>
    %get3A_527 = arith.constant 0 : index
    %get3A_528 = arith.constant 14 : index
    %get3A_529 = arith.constant 0 : index
    %get3A_530 = vector.load %arg5[%get3A_527, %get3A_528, %get3A_529] : memref<64x16x400xf32, #tpu.memory_space<vmem>>, vector<64x1x400xf32>
    %get3A_531 = vector.shape_cast %get3A_530 : vector<64x1x400xf32> to vector<64x400xf32>
    %add3A_532 = arith.addf %add3A_520, %get3A_531 : vector<64x400xf32>
    %get3A_533 = arith.constant 0 : index
    %get3A_534 = arith.constant 15 : index
    %get3A_535 = arith.constant 0 : index
    %get3A_536 = vector.load %arg4[%get3A_533, %get3A_534, %get3A_535] : memref<64x16x400xf32, #tpu.memory_space<vmem>>, vector<64x1x400xf32>
    %get3A_537 = vector.shape_cast %get3A_536 : vector<64x1x400xf32> to vector<64x400xf32>
    %add3A_538 = arith.addf %add3A_526, %get3A_537 : vector<64x400xf32>
    %get3A_539 = arith.constant 0 : index
    %get3A_540 = arith.constant 15 : index
    %get3A_541 = arith.constant 0 : index
    %get3A_542 = vector.load %arg5[%get3A_539, %get3A_540, %get3A_541] : memref<64x16x400xf32, #tpu.memory_space<vmem>>, vector<64x1x400xf32>
    %get3A_543 = vector.shape_cast %get3A_542 : vector<64x1x400xf32> to vector<64x400xf32>
    %add3A_544 = arith.addf %add3A_532, %get3A_543 : vector<64x400xf32>
    %get3A_545 = arith.constant 0 : index
    %get3A_546 = arith.constant 4 : index
    %get3A_547 = vector.load %arg20[%get3A_545, %get3A_546] : memref<1x8xf32, #tpu.memory_space<vmem>>, vector<1x1xf32>
    %get3A_548 = vector.extract %get3A_547[0, 0] : f32 from vector<1x1xf32>
    %div3A_549 = arith.constant 1.600000e+01 : f32
    %div3A_550 = arith.divf %get3A_548, %div3A_549 : f32
    %mul3A_551 = vector.broadcast %div3A_550 : f32 to vector<64x400xf32>
    %mul3A_552 = arith.mulf %add3A_538, %mul3A_551 : vector<64x400xf32>
    %get3A_553 = arith.constant 0 : index
    %get3A_554 = arith.constant 5 : index
    %get3A_555 = vector.load %arg20[%get3A_553, %get3A_554] : memref<1x8xf32, #tpu.memory_space<vmem>>, vector<1x1xf32>
    %get3A_556 = vector.extract %get3A_555[0, 0] : f32 from vector<1x1xf32>
    %add3A_557 = vector.broadcast %get3A_556 : f32 to vector<64x400xf32>
    %add3A_558 = arith.addf %mul3A_552, %add3A_557 : vector<64x400xf32>
    %max3A_559 = arith.constant 0.000000e+00 : f32
    %max3A_560 = vector.broadcast %max3A_559 : f32 to vector<64x400xf32>
    %max3A_561 = arith.maximumf %add3A_558, %max3A_560 : vector<64x400xf32>
    %get3A_562 = arith.constant 0 : index
    %get3A_563 = arith.constant 6 : index
    %get3A_564 = vector.load %arg20[%get3A_562, %get3A_563] : memref<1x8xf32, #tpu.memory_space<vmem>>, vector<1x1xf32>
    %get3A_565 = vector.extract %get3A_564[0, 0] : f32 from vector<1x1xf32>
    %div3A_566 = arith.constant 1.600000e+01 : f32
    %div3A_567 = arith.divf %get3A_565, %div3A_566 : f32
    %mul3A_568 = vector.broadcast %div3A_567 : f32 to vector<64x400xf32>
    %mul3A_569 = arith.mulf %add3A_544, %mul3A_568 : vector<64x400xf32>
    %get3A_570 = arith.constant 0 : index
    %get3A_571 = arith.constant 7 : index
    %get3A_572 = vector.load %arg20[%get3A_570, %get3A_571] : memref<1x8xf32, #tpu.memory_space<vmem>>, vector<1x1xf32>
    %get3A_573 = vector.extract %get3A_572[0, 0] : f32 from vector<1x1xf32>
    %add3A_574 = vector.broadcast %get3A_573 : f32 to vector<64x400xf32>
    %add3A_575 = arith.addf %mul3A_569, %add3A_574 : vector<64x400xf32>
    %max3A_576 = arith.constant 0.000000e+00 : f32
    %max3A_577 = vector.broadcast %max3A_576 : f32 to vector<64x400xf32>
    %max3A_578 = arith.maximumf %add3A_575, %max3A_577 : vector<64x400xf32>
    %add3A_579 = arith.addf %max3A_561, %max3A_578 : vector<64x400xf32>
    %dot_general3A_580 = arith.constant dense<0.000000e+00> : vector<64x80xf32>
    %dot_general3A_581 = tpu.matmul %add3A_579, %select_n3A_117, %dot_general3A_580 {dimension_numbers = #tpu.dot_dimension_numbers<[1], [0], [0], [1], [0, 0, 1, 1], [], []>, precision = #tpu.contract_precision<fp32>, transpose_lhs_hint = false} : vector<64x400xf32>, vector<400x80xf32>, vector<64x80xf32> -> vector<64x80xf32>
    %get3A_582 = arith.constant 0 : index
    %get3A_583 = arith.constant 0 : index
    %get3A_584 = vector.load %arg16[%get3A_582, %get3A_583] : memref<64x80xf32, #tpu.memory_space<vmem>>, vector<64x80xf32>
    %dot_general3A_585 = arith.constant dense<0.000000e+00> : vector<64x64xf32>
    %dot_general3A_586 = tpu.matmul %dot_general3A_581, %get3A_584, %dot_general3A_585 {dimension_numbers = #tpu.dot_dimension_numbers<[1], [1], [0], [0], [0, 0, 1, 0], [], []>, precision = #tpu.contract_precision<fp32>, transpose_lhs_hint = false} : vector<64x80xf32>, vector<64x80xf32>, vector<64x64xf32> -> vector<64x64xf32>
    %get3A_587 = arith.constant 0 : index
    %get3A_588 = arith.constant 0 : index
    %get3A_589 = vector.load %arg17[%get3A_587, %get3A_588] : memref<1x64xf32, #tpu.memory_space<vmem>>, vector<1x64xf32>
    %add3A_590 = vector.broadcast %get3A_589 : vector<1x64xf32> to vector<64x64xf32>
    %add3A_591 = arith.addf %dot_general3A_586, %add3A_590 : vector<64x64xf32>
    %concatenate3A_592 = tpu.concatenate %select_n3A_87, %add3A_354, %add3A_591 in 1 : vector<64x64xf32>, vector<64x64xf32>, vector<64x64xf32> -> vector<64x192xf32>
    %get3A_593 = arith.constant 0 : index
    %get3A_594 = arith.constant 0 : index
    %get3A_595 = vector.load %arg18[%get3A_593, %get3A_594] : memref<1x192xf32, #tpu.memory_space<vmem>>, vector<1x192xf32>
    %get3A_596 = vector.shape_cast %get3A_595 : vector<1x192xf32> to vector<192xf32>
    %broadcast_in_dim3A_597 = vector.shape_cast %get3A_596 : vector<192xf32> to vector<1x192xf32>
    %mul3A_598 = vector.broadcast %broadcast_in_dim3A_597 : vector<1x192xf32> to vector<64x192xf32>
    %mul3A_599 = arith.mulf %concatenate3A_592, %mul3A_598 : vector<64x192xf32>
    %reduce_sum3A = arith.constant dense<0.000000e+00> : vector<64xf32>
    %reduce_sum3A_600 = vector.multi_reduction <add>, %mul3A_599, %reduce_sum3A [1] : vector<64x192xf32> to vector<64xf32>
    %broadcast_in_dim3A_601 = vector.shape_cast %reduce_sum3A_600 : vector<64xf32> to vector<64x1xf32>
    %get3A_602 = arith.constant 0 : index
    %get3A_603 = arith.constant 0 : index
    %get3A_604 = vector.load %arg19[%get3A_602, %get3A_603] : memref<1x1xf32, #tpu.memory_space<vmem>>, vector<1x1xf32>
    %get3A_605 = vector.extract %get3A_604[0, 0] : f32 from vector<1x1xf32>
    %add3A_606 = vector.broadcast %get3A_605 : f32 to vector<64x1xf32>
    %add3A_607 = arith.addf %broadcast_in_dim3A_601, %add3A_606 : vector<64x1xf32>
    %neg3A = arith.constant 0.000000e+00 : f32
    %neg3A_608 = vector.broadcast %neg3A : f32 to vector<64x1xf32>
    %neg3A_609 = arith.subf %neg3A_608, %add3A_607 : vector<64x1xf32>
    %exp3A = math.exp %neg3A_609 : vector<64x1xf32>
    %add3A_610 = arith.constant 1.000000e+00 : f32
    %add3A_611 = vector.broadcast %add3A_610 : f32 to vector<64x1xf32>
    %add3A_612 = arith.addf %add3A_611, %exp3A : vector<64x1xf32>
    %div3A_613 = arith.constant 1.000000e+00 : f32
    %div3A_614 = vector.broadcast %div3A_613 : f32 to vector<64x1xf32>
    %div3A_615 = arith.divf %div3A_614, %add3A_612 : vector<64x1xf32>
    %swap3A = arith.constant 0 : index
    %swap3A_616 = arith.constant 0 : index
    %swap3A_617 = vector.load %arg21[%swap3A, %swap3A_616] : memref<64x1xf32, #tpu.memory_space<vmem>>, vector<64x1xf32>
    tpu.vector_store %arg21[%swap3A, %swap3A_616], %div3A_615 {strides = array<i32>} : memref<64x1xf32, #tpu.memory_space<vmem>>, vector<64x1xf32>,
    return
  }
}

</mosaic_0001>

<sc_bundles>
// kernel: kernel.11.cloned.1.call-start
scs
__scs_entry_jumppad:
0x0: {  	(pc) =	sbr.rel $0x88, $3  }
0x1: {  	(tag) =	ssettag $0x0;
	lr =	simm.s32 $0x1  }
0x2: {  	[smem:$0x3F7D] =	sst lr;
	_ =	strace $0xD0000000  }
0x3: {  	_ = 	snop  }
0x4: {  	_ = 	snop  }
0x5: {  	_ = 	snop  }
0x6: {  	_ = 	snop  }
0x7: {  	_ = 	snop  }
__scs_overlays_trampoline_lowered:
0x8: {  	[smem:$0x3F8C] =	sst s0  }
0x9: {  	[smem:$0x3F8D] =	sst s1  }
0xa: {  	[smem:$0x3F8E] =	sst s2  }
0xb: {  	[smem:$0x3F8F] =	sst s3  }
0xc: {  	[smem:$0x3F90] =	sst s4  }
0xd: {  	[smem:$0x3F91] =	sst s5  }
0xe: {  	[smem:$0x3F92] =	sst s6  }
0xf: {  	[smem:$0x3F93] =	sst s7  }
0x10: {  	[smem:$0x3F94] =	sst s8  }
0x11: {  	[smem:$0x3F95] =	sst s9;
	s0 =	simm.s32 @!p0 $0x0  }
0x12: {  	s1 =	sld [smem:$0x3F7B];
	s0 =	simm.s32 @p0 $0x1  }
0x13: {  	[smem:$0x3F96] =	sst s0;
	s0 =	simm.s32 @!p1 $0x0  }
0x14: {  	s2 =	sld [smem:$0x3F7A];
	s0 =	simm.s32 @p1 $0x1  }
0x15: {  	[smem:$0x3F97] =	sst s0;
	s0 =	simm.s32 @!p2 $0x0  }
0x16: {  	s3 =	sld [smem:$0x3FDB];
	s0 =	simm.s32 @p2 $0x1  }
0x17: {  	s4 =	simm.s32 $0x1BF5;
	[smem:$0x3F99] =	sst s0  }
0x18: {  	s0 =	sld [smem:$0x3F7C];
	_ =	swait.ge [sflag:s4], $0x0  }
0x19: {  	s7 =	sld [smem:$0x3F7D]  }
0x1a: {  	s8 =	sadd.s32 $0xFFFFE003, lr  }
0x1b: {  	s9 =	sadd.s32 $0xFFFFFEF7, lr;
	s5 =	simm.s32 $0xFFFFFFFF;
	p2 =	slt.u32 s8, $0xFFFFF086  }
0x1c: {  	p1 =	slt.u32 s9, $0xF7A;
	s5 =	simm.s32 @!p2 $0x0  }
0x1d: {  	s5 =	simm.s32 @p1 $0x1;
	p0 =	seq.s32 s7, s2  }
0x1e: {  	s7 =	smul.u32 @!p0 $0xF7A, s2;
	p2 =	seq.s32 @!p0 s5, $0x0  }
0x1f: {  	s9 =	smul.u32 $0xF7A, s1;
	s8 =	simm.s32 @!p0 $0x1BF5;
	p2 =	por !p2, p0  }
0x20: {  	[sflag:s8] =	ssyncset.s32 @!p0 $0xFFFFF086;
	s6 =	sadd.s32 @!p0 s3, s7;
	s7 =	simm.s32 @!p0 $0x108  }
0x21: {  	s3 =	sadd.s32 s3, s9;
	s6 =	sadd.s32 @!p0 $0x88, s6;
	s7 =	simm.s32 @p2 $0x1082  }
0x22: {  	[simem:s7], [sflag:s8] =	dma.local @!p0 [hbm:s6], $0xF7A  }
0x23: {  	s9 =	sor.u32 $0xD0000000, s2;
	s6 =	simm.s32 $0x108;
	_ =	swait.ge @!p0 [sflag:s8], $0x0  }
0x24: {  	s3 =	sadd.s32 $0x88, s3;
	s6 =	simm.s32 @!p1 $0x1082;
	[sflag:s4] =	ssyncset.s32 $0xFFFFF086  }
0x25: {  	[simem:s6], [sflag:s4] =	dma.local [hbm:s3], $0xF7A  }
0x26: {  	[smem:$0x3F7D] =	sst s1;
	(tag) =	ssettag s2;
	_ =	strace s9  }
0x27: {  	s1 =	sld [smem:$0x3F8D]  }
0x28: {  	s2 =	sld [smem:$0x3F8E]  }
0x29: {  	s4 =	sld [smem:$0x3F90]  }
0x2a: {  	p0 =	seq.s32 s5, $0x0;
	s5 =	sld [smem:$0x3F91]  }
0x2b: {  	s6 =	sld [smem:$0x3F92]  }
0x2c: {  	s7 =	sld [smem:$0x3F93]  }
0x2d: {  	s3 =	simm.s32 $0x108;
	s8 =	sld [smem:$0x3F94]  }
0x2e: {  	s3 =	simm.s32 @!p0 $0x1082;
	s9 =	sld [smem:$0x3F95]  }
0x2f: {  	lr =	sadd.s32 s0, s3;
	s0 =	sld [smem:$0x3F8C]  }
0x30: {  	s3 =	sld [smem:$0x3F8F]  }
0x31: {  	[smem:$0x3F98] =	sst s10  }
0x32: {  	s10 =	sld [smem:$0x3F96];
	_ =	sdelay $0x3  }
0x33: {  	p0 =	seq.s32 s10, $0x1;
	s10 =	sld [smem:$0x3F98];
	_ =	sdelay $0x3  }
0x34: {  	[smem:$0x3F98] =	sst s10  }
0x35: {  	s10 =	sld [smem:$0x3F97];
	_ =	sdelay $0x3  }
0x36: {  	p1 =	seq.s32 s10, $0x1;
	s10 =	sld [smem:$0x3F98];
	_ =	sdelay $0x3  }
0x37: {  	[smem:$0x3F98] =	sst s10  }
0x38: {  	s10 =	sld [smem:$0x3F99]  }
0x39: {  	_ = 	snop;
	(pc) =	sbr.ind lr, $3  }
0x3a: {  	_ = 	snop  }
0x3b: {  	_ = 	snop  }
0x3c: {  	p2 =	seq.s32 s10, $0x1;
	s10 =	sld [smem:$0x3F98]  }
0x3d: {  	_ =	shalt  }
0x3e: {  	_ =	shalt  }
0x3f: {  	_ =	shalt  }
0x40: {  	_ =	shalt  }
0x41: {  	_ =	shalt  }
0x42: {  	_ =	shalt  }
0x43: {  	_ =	shalt  }
0x44: {  	_ =	shalt  }
0x45: {  	_ =	shalt  }
0x46: {  	_ =	shalt  }
0x47: {  	_ =	shalt  }
0x48: {  	_ =	shalt  }
0x49: {  	_ =	shalt  }
0x4a: {  	_ =	shalt  }
0x4b: {  	_ =	shalt  }
0x4c: {  	_ =	shalt  }
0x4d: {  	_ =	shalt  }
0x4e: {  	_ =	shalt  }
0x4f: {  	_ =	shalt  }
0x50: {  	_ =	shalt  }
0x51: {  	_ =	shalt  }
0x52: {  	_ =	shalt  }
0x53: {  	_ =	shalt  }
0x54: {  	_ =	shalt  }
0x55: {  	_ =	shalt  }
0x56: {  	_ =	shalt  }
0x57: {  	_ =	shalt  }
0x58: {  	_ =	shalt  }
0x59: {  	_ =	shalt  }
0x5a: {  	_ =	shalt  }
0x5b: {  	_ =	shalt  }
0x5c: {  	_ =	shalt  }
0x5d: {  	_ =	shalt  }
0x5e: {  	_ =	shalt  }
0x5f: {  	_ =	shalt  }
0x60: {  	_ =	shalt  }
0x61: {  	_ =	shalt  }
0x62: {  	_ =	shalt  }
0x63: {  	_ =	shalt  }
0x64: {  	_ =	shalt  }
0x65: {  	_ =	shalt  }
0x66: {  	_ =	shalt  }
0x67: {  	_ =	shalt  }
0x68: {  	_ =	shalt  }
0x69: {  	_ =	shalt  }
0x6a: {  	_ =	shalt  }
0x6b: {  	_ =	shalt  }
0x6c: {  	_ =	shalt  }
0x6d: {  	_ =	shalt  }
0x6e: {  	_ =	shalt  }
0x6f: {  	_ =	shalt  }
0x70: {  	_ =	shalt  }
0x71: {  	_ =	shalt  }
0x72: {  	_ =	shalt  }
0x73: {  	_ =	shalt  }
0x74: {  	_ =	shalt  }
0x75: {  	_ =	shalt  }
0x76: {  	_ =	shalt  }
0x77: {  	_ =	shalt  }
0x78: {  	_ =	shalt  }
0x79: {  	_ =	shalt  }
0x7a: {  	_ =	shalt  }
0x7b: {  	_ =	shalt  }
0x7c: {  	_ =	shalt  }
0x7d: {  	_ =	shalt  }
0x7e: {  	_ =	shalt  }
0x7f: {  	_ =	shalt  }
0x80: {  	_ =	shalt  }
0x81: {  	_ =	shalt  }
0x82: {  	_ =	shalt  }
0x83: {  	_ =	shalt  }
0x84: {  	_ =	shalt  }
0x85: {  	_ =	shalt  }
0x86: {  	_ =	shalt  }
0x87: {  	_ =	shalt  }
.Lfunc_end0:
.L_simem_size_0:
called_computation.1_lowered:
.L_overlay_start_0:
0x88: {  	s2 =	sld [smem:$0x3FD9]  }
0x89: {  	s3 =	sld [smem:$0x3FFE];
	_ =	sdelay $0x1  }
0x8a: {  	s1 =	srdreg.scid  }
0x8b: {  	s0 =	sand.u32 $0x1, s1  }
0x8c: {  	s17 =	sshll.u32 s0, $0xA;
	s2 =	sadd.s32 s3, s2  }
0x8d: {  	s2 =	sadd.s32 s2, s17  }
0x8e: {  	[smem:$0x3FA4] =	sst s2  }
0x8f: {  	_ = 	snop  }
0x90: {  	(tm) =	ssettm $0x1  }
0x91: {  	s18 =	sld [smem:$0x3FFB];
	_ =	sdelay $0x3  }
0x92: {  	_ =	strace s18  }
0x93: {  	s2 =	sld [smem:$0x3FFC];
	_ =	sdelay $0x3  }
0x94: {  	_ =	strace s2  }
0x95: {  	s2 =	sld [smem:$0x3FFD];
	_ =	sdelay $0x3  }
0x96: {  	_ =	strace s2  }
0x97: {  	_ =	strace $0x8FFFFFFF  }
0x98: {  	s19 =	sld [smem:$0x3FDB];
	_ =	sdelay $0x1  }
0x99: {  	s20 =	simm.s32 $_scs_section_size  }
0x9a: {  	s4 =	simm.s32 $_size__tile_overlayer_lowered;
	s5 =	simm.s32 $_tile_overlayer_lowered  }
0x9b: {  	s6 =	simm.s32 $0x1BFF;
	s21 =	sshll.u32 s5, $0x1;
	s3 =	sadd.s32 s20, s19  }
0x9c: {  	s22 =	simm.s32 $0x0;
	s4 =	sshll.u32 s4, $0x1;
	s5 =	sadd.s32 s21, s3  }
0x9d: {  	[timem:s22], [sflag:s6] =	dma.local [hbm:s5], s4  }
0x9e: {  	_ =	swait.ge [sflag:s6], s4  }
0x9f: {  	s4 =	ssub.s32 $0x0, s4;
	[sflag:s6] =	ssyncset.done $0x0  }
0xa0: {  	[sflag:s6] =	ssyncadd.s32 s4;
	_ =	sdelay $0x1  }
0xa1: {  	s23 =	simm.s32 $0x1B8B  }
0xa2: {  	_ =	swait.ge [sflag:s23], $0x1  }
0xa3: {  	[sflag:s23] =	ssyncset.done $0x0  }
0xa4: {  	[sflag:s23] =	ssyncadd.s32 $0xFFFFFFFF  }
0xa5: {  	s4 =	sld [smem:$0x0]  }
0xa6: {  	s5 =	sand.u32 $0xFFFFFFFE, s1  }
0xa7: {  	p0 =	sne.s32 s1, s5  }
0xa8: {  	s5 =	sshll.u32 @p0 s5, $0xE  }
0xa9: {  	s5 =	sadd.s32 @p0 $0x11B8D, s5;
	s6 =	sshll.u32 @p0 s4, $0x11  }
0xaa: {  	s5 =	sor.u32 @p0 s6, s5  }
0xab: {  	[sflag:s5] =	ssyncadd.remote.s32 @p0 $0x1;
	_ =	sdelay $0x1  }
0xac: {  	s5 =	simm.s32 @p0 $0x1B8D  }
0xad: {  	_ =	swait.eq @p0 [sflag:s5], $0x1  }
0xae: {  	[sflag:s5] =	ssyncadd.s32 @p0 $0xFFFFFFFF  }
0xaf: {  	s6 =	sshll.u32 @!p0 s1, $0xE  }
0xb0: {  	s6 =	sor.u32 @!p0 $0x4000, s6;
	s5 =	simm.s32 @!p0 $0x1B8D  }
0xb1: {  	s4 =	sshll.u32 @!p0 s4, $0x11;
	s6 =	sadd.s32 @!p0 $0x11B8D, s6;
	_ =	swait.eq @!p0 [sflag:s5], $0x1  }
0xb2: {  	s4 =	sor.u32 @!p0 s4, s6;
	[sflag:s5] =	ssyncadd.s32 @!p0 $0xFFFFFFFF  }
0xb3: {  	s25 =	simm.s32 $0x1B8E;
	s24 =	sld [smem:$0x3FFE];
	[sflag:s4] =	ssyncadd.remote.s32 @!p0 $0x1  }
0xb4: {  	s26 =	simm.s32 $execute0_lowered;
	[smem:$0x3FD2] =	sst s25  }
0xb5: {  	s5 =	sshll.u32 s26, $0x1;
	_ =	strace $0x8000004C;
	[dreg:$0x1] =	wrdreg $0xFFFFFFFF  }
0xb6: {  	s28 =	simm.s32 $_size_execute0_lowered;
	s3 =	sadd.s32 s3, s5;
	[dreg:$0x0] =	wrdreg $0x0  }
0xb7: {  	s5 =	sshll.u32 s28, $0x1;
	[dreg:$0x2] =	wrdreg s3  }
0xb8: {  	[dreg:$0x3] =	wrdreg s5  }
0xb9: {  	[dreg:$0x4] =	wrdreg $0xC0  }
0xba: {  	_ =	task [dreg:s22], $0x5FFFF  }
0xbb: {  	[dreg:$0x1] =	wrdreg $0xFFFFFFFF  }
0xbc: {  	[dreg:$0x0] =	wrdreg $0x60  }
0xbd: {  	[dreg:$0x2] =	wrdreg s24  }
0xbe: {  	[dreg:$0x3] =	wrdreg $0xC4400  }
0xbf: {  	[dreg:$0x4] =	wrdreg $0x9  }
0xc0: {  	_ =	task.clear_ibuf [dreg:s22], $0x5FFFF;
	_ =	strace $0x9000004C  }
0xc1: {  	s29 =	simm.s32 $0x9;
	_ =	strace $0x8000004E  }
0xc2: {  	_ =	swait.ge [sflag:s29], $0x1  }
0xc3: {  	[sflag:s29] =	ssyncadd.s32 $0xFFFFFFFF  }
0xc4: {  	_ =	strace $0x9000004E  }
0xc5: {  	_ =	sfence  }
0xc6: {  	s30 =	sld [smem:$0x0];
	_ =	sdelay $0x2  }
0xc7: {  	s31 =	sshll.u32 s1, $0xD;
	s1 =	sshrl.u32 s1, $0x2  }
0xc8: {  	s4 =	sand.u32 $0x4000, s31;
	s1 =	sadd.s32 s1, s30  }
0xc9: {  	s0 =	sor.u32 s4, s0;
	s1 =	sshll.u32 s1, $0x11  }
0xca: {  	s0 =	sor.u32 s1, s0  }
0xcb: {  	s0 =	sadd.s32 $0x8F2B, s0  }
0xcc: {  	[sflag:s0] =	ssyncadd.remote.s32 $0x1  }
0xcd: {  	_ =	sfence.sel $0xFFFF  }
0xce: {  	[dreg:$0x0] =	wrdreg $0xFFFFFFFF;
	(pc) =	sbr.abs _section_cstart, $3  }
0xcf: {  	[dreg:$0x1] =	wrdreg $0xFFFFFFFF  }
0xd0: {  	_ =	task.clear_ibuf [dreg:s22], $0x2FFFF;
	_ =	strace $0x9FFFFFFF  }
0xd1: {  	(tm) =	ssettm $0x7FFFFFFF  }
tec
execute0_lowered:
.L_overlay_start_1:
0x0: {  	(tag) =	ssettag $0x1  }
0x1: {  	s6 =	rddreg [dreg:$0x0]  }
0x2: {  	s0 =	srdreg.scid;
	s2 =	rddreg [dreg:$0x1];
	s3 =	simm.s32 $0x0  }
0x3: {  	s13 =	simm.s32 $0x9C40;
	s14 =	simm.s32 $0x1;
	s15 =	simm.s32 $0xB040  }
0x4: {  	s16 =	simm.s32 $0x50;
	s5 =	sand.u32 $0x1, s0;
	s0 =	stileid.u32  }
0x5: {  	s17 =	simm.s32 $0x9BF0;
	s18 =	simm.s32 $0x0;
	s8 =	smul.u32 $0xA000, s0  }
0x6: {  	[smem:$0x7FF] =	sst s3;
	s4 =	sadd.s32 $0x17D000, s6;
	s9 =	smul.u32 $0x1400, s0  }
0x7: {  	s1 =	sshll.u32 s5, $0x4;
	s10 =	smul.u32 $0x14000, s5;
	s5 =	ssub.s32 $0x2, s5  }
0x8: {  	s31 =	sshll.u32 s0, $0x6;
	s1 =	sor.u32 s0, s1;
	s30 =	sshrl.u32 s5, $0x1  }
0x9: {  	s7 =	smul.u32 $0x9C4, s1;
	s1 =	rddreg [dreg:$0x2];
	_ =	strace $0x8000004D  }
0xa: {  	s29 =	sshrl.u32 s8, $0x3;
	s9 =	sadd.s32 s9, s10;
	s10 =	ssub.s32 s5, s30  }
0xb: {  	s12 =	sadd.s32 s8, s2;
	s9 =	sadd.s32 s9, s6;
	s10 =	smax.u32 s10, $0x1  }
0xc: {  	s11 =	sadd.s32 s7, s6;
	s7 =	sadd.s32 s29, s6;
	s6 =	sor.u32 $0x1C02, s31  }
0xd: {  	s9 =	sadd.s32 $0x1A4200, s9;
	s5 =	sadd.s32 $0x19200, s7;
	s7 =	sadd.s32 $0x55200, s11  }
0xe: {  	s8 =	sadd.s32 $0x5400, s11;
	s11 =	sshrl.u32 s12, $0x3;
	s12 =	simm.s32 $0x2  }
.LBB2_1:
0xf: {  	[spmem:s11], [sflag:s6] =	dma.local [hbm:s5], $0x1400  }
0x10: {  	_ =	swait.ge [sflag:s12], $0x1400  }
0x11: {  	[sflag:s12] =	ssyncset.done $0x0  }
0x12: {  	[sflag:s12] =	ssyncadd.s32 $0xFFFFEC00  }
0x13: {  	[tilespmem:s3], [sflag:$0x2] =	stream.linear.gather [hbm4b:s7+s3], $0x4E20, $0x38;
	[tilespmem:$0x16440] =	vst v63  }
0x14: {  	_ =	swait.ge [sflag:s12], $0x4E20  }
0x15: {  	[sflag:s12] =	ssyncset.done $0x0  }
0x16: {  	s19 =	simm.s32 $0x4E20;
	[sflag:s12] =	ssyncadd.s32 $0xFFFFB1E0  }
0x17: {  	[tilespmem:s19], [sflag:$0x2] =	stream.linear.gather [hbm4b:s8+s3], $0x4E20, $0x38;
	[tilespmem:$0x16440] =	vst v63  }
0x18: {  	_ =	swait.ge [sflag:s12], $0x4E20  }
0x19: {  	[sflag:s12] =	ssyncset.done $0x0  }
0x1a: {  	[sflag:s12] =	ssyncadd.s32 $0xFFFFB1E0  }
0x1b: {  	s21 =	simm.s32 $0x1;
	[bflag:$0x0] =	sbarrier.arrive $0xFFFF  }
0x1c: {  	[tilespmem:s13], [sflag:$0x1] =	stream.indirect.gather [hbm4b:s4+s16], $0x40, s3, s16, $0xb8;
	[tilespmem:$0x16440] =	vst v63  }
0x1d: {  	s20 =	sand.u32 $0x1, s21;
	_ =	swait.ge [sflag:s14], $0x1400  }
0x1e: {  	p0 =	seq.s32 s20, $0x1;
	s20 =	simm.s32 $0xB040;
	[sflag:s14] =	ssyncset.done $0x0  }
0x1f: {  	s22 =	sand.u32 $0x1, s3;
	s20 =	simm.s32 @!p0 $0x9C40;
	[sflag:s14] =	ssyncadd.s32 $0xFFFFEC00  }
0x20: {  	[tilespmem:s20], [sflag:$0x1] =	stream.indirect.gather [hbm4b:s4+s16], $0x40, s16, s16, $0xb8;
	[tilespmem:$0x16440] =	vst v63  }
0x21: {  	p0 =	seq.s32 s22, $0x1;
	s20 =	simm.s32 $0xB040  }
0x22: {  	s20 =	simm.s32 @!p0 $0x9C40  }
0x23: {  	[spmem:s2] =	stream.indirect.scatter.add.f32 [tilespmem:s20], [sflag:$0x2], $0x40, s19, s16, $0xb8;
	[tilespmem:$0x16440] =	vst v63  }
0x24: {  	_ =	swait.ge [sflag:s12], $0x1400  }
0x25: {  	s20 =	simm.s32 $0xA0;
	[sflag:s12] =	ssyncset.done $0x0  }
.LBB2_2:
0x26: {  	[sflag:s12] =	ssyncadd.s32 $0xFFFFEC00  }
0x27: {  	s19 =	sadd.s32 $0x50, s19;
	s22 =	smov.u32 s21;
	s23 =	sadd.s32 $0x1, s21  }
0x28: {  	p0 =	sne.s32 s21, $0xF8;
	_ =	swait.ge [sflag:s14], $0x1400;
	s24 =	sand.u32 $0x1, s23  }
0x29: {  	s21 =	simm.s32 $0xB040;
	[sflag:s14] =	ssyncset.done $0x0;
	p1 =	seq.s32 s24, $0x1  }
0x2a: {  	s22 =	sand.u32 $0x1, s22;
	[sflag:s14] =	ssyncadd.s32 $0xFFFFEC00;
	s21 =	simm.s32 @!p1 $0x9C40  }
0x2b: {  	[tilespmem:s21], [sflag:$0x1] =	stream.indirect.gather [hbm4b:s4+s16], $0x40, s20, s16, $0xb8;
	[tilespmem:$0x16440] =	vst v63  }
.Ltmp0:
0x2c: {  	p1 =	seq.s32 s22, $0x1;
	s21 =	simm.s32 $0xB040;
	(pc) =	sbr.rel @p0 .LBB2_2-.Ltmp0, $4  }
0x2d: {  	s21 =	simm.s32 @!p1 $0x9C40  }
0x2e: {  	[spmem:s2] =	stream.indirect.scatter.add.f32 [tilespmem:s21], [sflag:$0x2], $0x40, s19, s16, $0xb8;
	[tilespmem:$0x16440] =	vst v63  }
0x2f: {  	_ =	swait.ge [sflag:s12], $0x1400  }
0x30: {  	s20 =	sadd.s32 $0x50, s20;
	s21 =	smov.u32 s23;
	[sflag:s12] =	ssyncset.done $0x0  }
0x31: {  	[sflag:s12] =	ssyncadd.s32 $0xFFFFEC00  }
0x32: {  	_ =	swait.ge [sflag:s14], $0x1400  }
0x33: {  	[sflag:s14] =	ssyncset.done $0x0  }
0x34: {  	[sflag:s14] =	ssyncadd.s32 $0xFFFFEC00  }
0x35: {  	[spmem:s2] =	stream.indirect.scatter.add.f32 [tilespmem:s15], [sflag:$0x2], $0x40, s17, s16, $0xb8;
	[tilespmem:$0x16440] =	vst v63  }
0x36: {  	_ =	swait.ge [sflag:s12], $0x1400  }
0x37: {  	s18 =	sadd.s32 $0x1, s18;
	[sflag:s12] =	ssyncset.done $0x0  }
0x38: {  	p0 =	sne.s32 s18, s10;
	[sflag:s12] =	ssyncadd.s32 $0xFFFFEC00  }
.Ltmp1:
0x39: {  	[bflag:$0x0] =	sbarrier.arrive $0xFFFF;
	(pc) =	sbr.rel @p0 .LBB2_1-.Ltmp1, $4  }
0x3a: {  	[hbm:s9], [sflag:s6] =	dma.local [spmem:s11], $0x1400  }
0x3b: {  	_ =	swait.ge [sflag:s12], $0x1400  }
0x3c: {  	[sflag:s12] =	ssyncset.done $0x0  }
0x3d: {  	[sflag:s12] =	ssyncadd.s32 $0xFFFFEC00  }
0x3e: {  	_ =	sfence.sel $0x180000  }
0x3f: {  	[bflag:$0x0] =	sbarrier.arrive $0xFFFF  }
0x40: {  	p0 =	sne.s32 s0, $0x0;
	_ =	strace $0x9000004D  }
0x41: {  	s0 =	sadd.s32 @!p0 $0x100000, s1;
	[bflag:$0x2] =	sbarrier.arrive $0xFFFF  }
0x42: {  	[sflag:s0] =	ssyncadd.tile.s32 @!p0 $0x1;
	_ =	shalt  }
.Lfunc_end2:
_tile_overlayer_lowered:
.L_overlay_start_2:
0x43: {  	(tag) =	ssettag $0x2  }
0x44: {  	s0 =	rddreg [dreg:$0x0];
	s2 =	stileid.u32  }
0x45: {  	s1 =	rddreg [dreg:$0x1];
	p0 =	sne.s32 s2, $0x0  }
0x46: {  	s3 =	rddreg [dreg:$0x2];
	[bflag:$0x3] =	sbarrier.arrive $0xFFFF;
	s2 =	simm.s32 @!p0 $0x1C02  }
0x47: {  	[timem:s3], [sflag:s2] =	dma.local @!p0 [hbm:s0], s1  }
0x48: {  	s0 =	simm.s32 @!p0 $0x2  }
0x49: {  	_ =	swait.ge @!p0 [sflag:s0], s1  }
0x4a: {  	s1 =	ssub.s32 @!p0 $0x0, s1;
	[sflag:s0] =	ssyncset.done @!p0 $0x0  }
0x4b: {  	[sflag:s0] =	ssyncadd.s32 @!p0 s1  }
0x4c: {  	[bflag:$0x3] =	sbarrier.arrive $0xFFFF  }
0x4d: {  	_ =	shalt  }

// kernel: kernel.14.cloned.1.call-start
scs
__scs_entry_jumppad:
0x0: {  	(pc) =	sbr.rel $0x88, $3  }
0x1: {  	(tag) =	ssettag $0x0;
	lr =	simm.s32 $0x1  }
0x2: {  	[smem:$0x3F7D] =	sst lr;
	_ =	strace $0xD0000000  }
0x3: {  	_ = 	snop  }
0x4: {  	_ = 	snop  }
0x5: {  	_ = 	snop  }
0x6: {  	_ = 	snop  }
0x7: {  	_ = 	snop  }
__scs_overlays_trampoline_lowered:
0x8: {  	[smem:$0x3F8C] =	sst s0  }
0x9: {  	[smem:$0x3F8D] =	sst s1  }
0xa: {  	[smem:$0x3F8E] =	sst s2  }
0xb: {  	[smem:$0x3F8F] =	sst s3  }
0xc: {  	[smem:$0x3F90] =	sst s4  }
0xd: {  	[smem:$0x3F91] =	sst s5  }
0xe: {  	[smem:$0x3F92] =	sst s6  }
0xf: {  	[smem:$0x3F93] =	sst s7  }
0x10: {  	[smem:$0x3F94] =	sst s8  }
0x11: {  	[smem:$0x3F95] =	sst s9;
	s0 =	simm.s32 @!p0 $0x0  }
0x12: {  	s1 =	sld [smem:$0x3F7B];
	s0 =	simm.s32 @p0 $0x1  }
0x13: {  	[smem:$0x3F96] =	sst s0;
	s0 =	simm.s32 @!p1 $0x0  }
0x14: {  	s2 =	sld [smem:$0x3F7A];
	s0 =	simm.s32 @p1 $0x1  }
0x15: {  	[smem:$0x3F97] =	sst s0;
	s0 =	simm.s32 @!p2 $0x0  }
0x16: {  	s3 =	sld [smem:$0x3FDB];
	s0 =	simm.s32 @p2 $0x1  }
0x17: {  	s4 =	simm.s32 $0x1BF5;
	[smem:$0x3F99] =	sst s0  }
0x18: {  	s0 =	sld [smem:$0x3F7C];
	_ =	swait.ge [sflag:s4], $0x0  }
0x19: {  	s7 =	sld [smem:$0x3F7D]  }
0x1a: {  	s8 =	sadd.s32 $0xFFFFE003, lr  }
0x1b: {  	s9 =	sadd.s32 $0xFFFFFEF7, lr;
	s5 =	simm.s32 $0xFFFFFFFF;
	p2 =	slt.u32 s8, $0xFFFFF086  }
0x1c: {  	p1 =	slt.u32 s9, $0xF7A;
	s5 =	simm.s32 @!p2 $0x0  }
0x1d: {  	s5 =	simm.s32 @p1 $0x1;
	p0 =	seq.s32 s7, s2  }
0x1e: {  	s7 =	smul.u32 @!p0 $0xF7A, s2;
	p2 =	seq.s32 @!p0 s5, $0x0  }
0x1f: {  	s9 =	smul.u32 $0xF7A, s1;
	s8 =	simm.s32 @!p0 $0x1BF5;
	p2 =	por !p2, p0  }
0x20: {  	[sflag:s8] =	ssyncset.s32 @!p0 $0xFFFFF086;
	s6 =	sadd.s32 @!p0 s3, s7;
	s7 =	simm.s32 @!p0 $0x108  }
0x21: {  	s3 =	sadd.s32 s3, s9;
	s6 =	sadd.s32 @!p0 $0x88, s6;
	s7 =	simm.s32 @p2 $0x1082  }
0x22: {  	[simem:s7], [sflag:s8] =	dma.local @!p0 [hbm:s6], $0xF7A  }
0x23: {  	s9 =	sor.u32 $0xD0000000, s2;
	s6 =	simm.s32 $0x108;
	_ =	swait.ge @!p0 [sflag:s8], $0x0  }
0x24: {  	s3 =	sadd.s32 $0x88, s3;
	s6 =	simm.s32 @!p1 $0x1082;
	[sflag:s4] =	ssyncset.s32 $0xFFFFF086  }
0x25: {  	[simem:s6], [sflag:s4] =	dma.local [hbm:s3], $0xF7A  }
0x26: {  	[smem:$0x3F7D] =	sst s1;
	(tag) =	ssettag s2;
	_ =	strace s9  }
0x27: {  	s1 =	sld [smem:$0x3F8D]  }
0x28: {  	s2 =	sld [smem:$0x3F8E]  }
0x29: {  	s4 =	sld [smem:$0x3F90]  }
0x2a: {  	p0 =	seq.s32 s5, $0x0;
	s5 =	sld [smem:$0x3F91]  }
0x2b: {  	s6 =	sld [smem:$0x3F92]  }
0x2c: {  	s7 =	sld [smem:$0x3F93]  }
0x2d: {  	s3 =	simm.s32 $0x108;
	s8 =	sld [smem:$0x3F94]  }
0x2e: {  	s3 =	simm.s32 @!p0 $0x1082;
	s9 =	sld [smem:$0x3F95]  }
0x2f: {  	lr =	sadd.s32 s0, s3;
	s0 =	sld [smem:$0x3F8C]  }
0x30: {  	s3 =	sld [smem:$0x3F8F]  }
0x31: {  	[smem:$0x3F98] =	sst s10  }
0x32: {  	s10 =	sld [smem:$0x3F96];
	_ =	sdelay $0x3  }
0x33: {  	p0 =	seq.s32 s10, $0x1;
	s10 =	sld [smem:$0x3F98];
	_ =	sdelay $0x3  }
0x34: {  	[smem:$0x3F98] =	sst s10  }
0x35: {  	s10 =	sld [smem:$0x3F97];
	_ =	sdelay $0x3  }
0x36: {  	p1 =	seq.s32 s10, $0x1;
	s10 =	sld [smem:$0x3F98];
	_ =	sdelay $0x3  }
0x37: {  	[smem:$0x3F98] =	sst s10  }
0x38: {  	s10 =	sld [smem:$0x3F99]  }
0x39: {  	_ = 	snop;
	(pc) =	sbr.ind lr, $3  }
0x3a: {  	_ = 	snop  }
0x3b: {  	_ = 	snop  }
0x3c: {  	p2 =	seq.s32 s10, $0x1;
	s10 =	sld [smem:$0x3F98]  }
0x3d: {  	_ =	shalt  }
0x3e: {  	_ =	shalt  }
0x3f: {  	_ =	shalt  }
0x40: {  	_ =	shalt  }
0x41: {  	_ =	shalt  }
0x42: {  	_ =	shalt  }
0x43: {  	_ =	shalt  }
0x44: {  	_ =	shalt  }
0x45: {  	_ =	shalt  }
0x46: {  	_ =	shalt  }
0x47: {  	_ =	shalt  }
0x48: {  	_ =	shalt  }
0x49: {  	_ =	shalt  }
0x4a: {  	_ =	shalt  }
0x4b: {  	_ =	shalt  }
0x4c: {  	_ =	shalt  }
0x4d: {  	_ =	shalt  }
0x4e: {  	_ =	shalt  }
0x4f: {  	_ =	shalt  }
0x50: {  	_ =	shalt  }
0x51: {  	_ =	shalt  }
0x52: {  	_ =	shalt  }
0x53: {  	_ =	shalt  }
0x54: {  	_ =	shalt  }
0x55: {  	_ =	shalt  }
0x56: {  	_ =	shalt  }
0x57: {  	_ =	shalt  }
0x58: {  	_ =	shalt  }
0x59: {  	_ =	shalt  }
0x5a: {  	_ =	shalt  }
0x5b: {  	_ =	shalt  }
0x5c: {  	_ =	shalt  }
0x5d: {  	_ =	shalt  }
0x5e: {  	_ =	shalt  }
0x5f: {  	_ =	shalt  }
0x60: {  	_ =	shalt  }
0x61: {  	_ =	shalt  }
0x62: {  	_ =	shalt  }
0x63: {  	_ =	shalt  }
0x64: {  	_ =	shalt  }
0x65: {  	_ =	shalt  }
0x66: {  	_ =	shalt  }
0x67: {  	_ =	shalt  }
0x68: {  	_ =	shalt  }
0x69: {  	_ =	shalt  }
0x6a: {  	_ =	shalt  }
0x6b: {  	_ =	shalt  }
0x6c: {  	_ =	shalt  }
0x6d: {  	_ =	shalt  }
0x6e: {  	_ =	shalt  }
0x6f: {  	_ =	shalt  }
0x70: {  	_ =	shalt  }
0x71: {  	_ =	shalt  }
0x72: {  	_ =	shalt  }
0x73: {  	_ =	shalt  }
0x74: {  	_ =	shalt  }
0x75: {  	_ =	shalt  }
0x76: {  	_ =	shalt  }
0x77: {  	_ =	shalt  }
0x78: {  	_ =	shalt  }
0x79: {  	_ =	shalt  }
0x7a: {  	_ =	shalt  }
0x7b: {  	_ =	shalt  }
0x7c: {  	_ =	shalt  }
0x7d: {  	_ =	shalt  }
0x7e: {  	_ =	shalt  }
0x7f: {  	_ =	shalt  }
0x80: {  	_ =	shalt  }
0x81: {  	_ =	shalt  }
0x82: {  	_ =	shalt  }
0x83: {  	_ =	shalt  }
0x84: {  	_ =	shalt  }
0x85: {  	_ =	shalt  }
0x86: {  	_ =	shalt  }
0x87: {  	_ =	shalt  }
.Lfunc_end0:
.L_simem_size_0:
called_computation.2_lowered:
.L_overlay_start_0:
0x88: {  	s2 =	sld [smem:$0x3FD9]  }
0x89: {  	s3 =	sld [smem:$0x3FFE];
	_ =	sdelay $0x1  }
0x8a: {  	s1 =	srdreg.scid  }
0x8b: {  	s0 =	sand.u32 $0x1, s1  }
0x8c: {  	s16 =	sshll.u32 s0, $0xA;
	s2 =	sadd.s32 s3, s2  }
0x8d: {  	s2 =	sadd.s32 s2, s16  }
0x8e: {  	[smem:$0x3FA4] =	sst s2  }
0x8f: {  	_ = 	snop  }
0x90: {  	(tm) =	ssettm $0x1  }
0x91: {  	s17 =	sld [smem:$0x3FFB];
	_ =	sdelay $0x3  }
0x92: {  	_ =	strace s17  }
0x93: {  	s2 =	sld [smem:$0x3FFC];
	_ =	sdelay $0x3  }
0x94: {  	_ =	strace s2  }
0x95: {  	s2 =	sld [smem:$0x3FFD];
	_ =	sdelay $0x3  }
0x96: {  	_ =	strace s2  }
0x97: {  	_ =	strace $0x8FFFFFFF  }
0x98: {  	s18 =	sld [smem:$0x3FDB];
	_ =	sdelay $0x1  }
0x99: {  	s19 =	simm.s32 $_scs_section_size  }
0x9a: {  	s4 =	simm.s32 $_size__tile_overlayer_lowered;
	s5 =	simm.s32 $_tile_overlayer_lowered  }
0x9b: {  	s22 =	simm.s32 $0x1BFF;
	s21 =	sshll.u32 s5, $0x1;
	s2 =	sadd.s32 s19, s18  }
0x9c: {  	s6 =	simm.s32 $0x0;
	s20 =	sshll.u32 s4, $0x1;
	s4 =	sadd.s32 s21, s2  }
0x9d: {  	[timem:s6], [sflag:s22] =	dma.local [hbm:s4], s20  }
0x9e: {  	_ =	swait.ge [sflag:s22], s20  }
0x9f: {  	s3 =	ssub.s32 $0x0, s20;
	[sflag:s22] =	ssyncset.done $0x0  }
0xa0: {  	[sflag:s22] =	ssyncadd.s32 s3;
	_ =	sdelay $0x1  }
0xa1: {  	s23 =	simm.s32 $0x1B8B  }
0xa2: {  	_ =	swait.ge [sflag:s23], $0x1  }
0xa3: {  	[sflag:s23] =	ssyncset.done $0x0  }
0xa4: {  	s25 =	simm.s32 $0x1B8E;
	s24 =	sld [smem:$0x3FFE];
	[sflag:s23] =	ssyncadd.s32 $0xFFFFFFFF  }
0xa5: {  	s26 =	simm.s32 $execute0_lowered;
	[smem:$0x3FD2] =	sst s25  }
0xa6: {  	s4 =	sshll.u32 s26, $0x1;
	_ =	strace $0x80000049;
	[dreg:$0x1] =	wrdreg $0xFFFFFFFF  }
0xa7: {  	s28 =	simm.s32 $_size_execute0_lowered;
	s2 =	sadd.s32 s2, s4;
	[dreg:$0x0] =	wrdreg $0x0  }
0xa8: {  	s4 =	sshll.u32 s28, $0x1;
	[dreg:$0x2] =	wrdreg s2  }
0xa9: {  	[dreg:$0x3] =	wrdreg s4  }
0xaa: {  	[dreg:$0x4] =	wrdreg $0xC0  }
0xab: {  	_ =	task [dreg:s6], $0x5FFFF  }
0xac: {  	[dreg:$0x1] =	wrdreg $0xFFFFFFFF  }
0xad: {  	[dreg:$0x0] =	wrdreg $0x60  }
0xae: {  	[dreg:$0x2] =	wrdreg s24  }
0xaf: {  	[dreg:$0x3] =	wrdreg $0xC4400  }
0xb0: {  	[dreg:$0x4] =	wrdreg $0xA  }
0xb1: {  	_ =	task.clear_ibuf [dreg:s6], $0x5FFFF;
	_ =	strace $0x90000049  }
0xb2: {  	s29 =	simm.s32 $0xA;
	_ =	strace $0x8000004B  }
0xb3: {  	_ =	swait.ge [sflag:s29], $0x1  }
0xb4: {  	[sflag:s29] =	ssyncadd.s32 $0xFFFFFFFF  }
0xb5: {  	_ =	strace $0x9000004B  }
0xb6: {  	_ =	sfence  }
0xb7: {  	s30 =	sld [smem:$0x0];
	_ =	sdelay $0x2  }
0xb8: {  	s31 =	sshll.u32 s1, $0xD;
	s1 =	sshrl.u32 s1, $0x2  }
0xb9: {  	s3 =	sand.u32 $0x4000, s31;
	s1 =	sadd.s32 s1, s30  }
0xba: {  	s0 =	sor.u32 s3, s0;
	s1 =	sshll.u32 s1, $0x11  }
0xbb: {  	s0 =	sor.u32 s1, s0  }
0xbc: {  	s0 =	sadd.s32 $0x8F2B, s0  }
0xbd: {  	[sflag:s0] =	ssyncadd.remote.s32 $0x1  }
0xbe: {  	_ =	sfence.sel $0xFFFF  }
0xbf: {  	[dreg:$0x0] =	wrdreg $0xFFFFFFFF;
	(pc) =	sbr.abs _section_cstart, $3  }
0xc0: {  	[dreg:$0x1] =	wrdreg $0xFFFFFFFF  }
0xc1: {  	_ =	task.clear_ibuf [dreg:s6], $0x2FFFF;
	_ =	strace $0x9FFFFFFF  }
0xc2: {  	(tm) =	ssettm $0x7FFFFFFF  }
0xc3: {  	_ =	shalt  }
tec
execute0_lowered:
.L_overlay_start_1:
0x0: {  	(tag) =	ssettag $0x1  }
0x1: {  	s6 =	rddreg [dreg:$0x0]  }
0x2: {  	s0 =	srdreg.scid;
	s2 =	rddreg [dreg:$0x1];
	s3 =	simm.s32 $0x0  }
0x3: {  	s13 =	simm.s32 $0x9C40;
	s14 =	simm.s32 $0x1;
	s15 =	simm.s32 $0xB040  }
0x4: {  	s16 =	simm.s32 $0x50;
	s5 =	sand.u32 $0x1, s0;
	s0 =	stileid.u32  }
0x5: {  	s17 =	simm.s32 $0x9BF0;
	s18 =	simm.s32 $0x0;
	s8 =	smul.u32 $0xA000, s0  }
0x6: {  	[smem:$0x7FF] =	sst s3;
	s4 =	sadd.s32 $0x2D200, s6;
	s9 =	smul.u32 $0x1400, s0  }
0x7: {  	s1 =	sshll.u32 s5, $0x4;
	s10 =	smul.u32 $0x14000, s5;
	s5 =	ssub.s32 $0x2, s5  }
0x8: {  	s31 =	sshll.u32 s0, $0x6;
	s1 =	sor.u32 s0, s1;
	s30 =	sshrl.u32 s5, $0x1  }
0x9: {  	s7 =	smul.u32 $0x9C4, s1;
	s1 =	rddreg [dreg:$0x2];
	_ =	strace $0x8000004A  }
0xa: {  	s29 =	sshrl.u32 s8, $0x3;
	s9 =	sadd.s32 s9, s10;
	s10 =	ssub.s32 s5, s30  }
0xb: {  	s12 =	sadd.s32 s8, s2;
	s9 =	sadd.s32 s9, s6;
	s10 =	smax.u32 s10, $0x1  }
0xc: {  	s11 =	sadd.s32 s7, s6;
	s7 =	sadd.s32 s29, s6;
	s6 =	sor.u32 $0x1C02, s31  }
0xd: {  	s9 =	sadd.s32 $0x155000, s9;
	s5 =	sadd.s32 $0x19200, s7;
	s7 =	sadd.s32 $0x55200, s11  }
0xe: {  	s8 =	sadd.s32 $0x5400, s11;
	s11 =	sshrl.u32 s12, $0x3;
	s12 =	simm.s32 $0x2  }
.LBB2_1:
0xf: {  	[spmem:s11], [sflag:s6] =	dma.local [hbm:s5], $0x1400  }
0x10: {  	_ =	swait.ge [sflag:s12], $0x1400  }
0x11: {  	[sflag:s12] =	ssyncset.done $0x0  }
0x12: {  	[sflag:s12] =	ssyncadd.s32 $0xFFFFEC00  }
0x13: {  	[tilespmem:s3], [sflag:$0x2] =	stream.linear.gather [hbm4b:s7+s3], $0x4E20, $0x38;
	[tilespmem:$0x16440] =	vst v63  }
0x14: {  	_ =	swait.ge [sflag:s12], $0x4E20  }
0x15: {  	[sflag:s12] =	ssyncset.done $0x0  }
0x16: {  	s19 =	simm.s32 $0x4E20;
	[sflag:s12] =	ssyncadd.s32 $0xFFFFB1E0  }
0x17: {  	[tilespmem:s19], [sflag:$0x2] =	stream.linear.gather [hbm4b:s8+s3], $0x4E20, $0x38;
	[tilespmem:$0x16440] =	vst v63  }
0x18: {  	_ =	swait.ge [sflag:s12], $0x4E20  }
0x19: {  	[sflag:s12] =	ssyncset.done $0x0  }
0x1a: {  	[sflag:s12] =	ssyncadd.s32 $0xFFFFB1E0  }
0x1b: {  	s21 =	simm.s32 $0x1;
	[bflag:$0x0] =	sbarrier.arrive $0xFFFF  }
0x1c: {  	[tilespmem:s13], [sflag:$0x1] =	stream.indirect.gather [hbm4b:s4+s16], $0x40, s3, s16, $0xb8;
	[tilespmem:$0x16440] =	vst v63  }
0x1d: {  	s20 =	sand.u32 $0x1, s21;
	_ =	swait.ge [sflag:s14], $0x1400  }
0x1e: {  	p0 =	seq.s32 s20, $0x1;
	s20 =	simm.s32 $0xB040;
	[sflag:s14] =	ssyncset.done $0x0  }
0x1f: {  	s22 =	sand.u32 $0x1, s3;
	s20 =	simm.s32 @!p0 $0x9C40;
	[sflag:s14] =	ssyncadd.s32 $0xFFFFEC00  }
0x20: {  	[tilespmem:s20], [sflag:$0x1] =	stream.indirect.gather [hbm4b:s4+s16], $0x40, s16, s16, $0xb8;
	[tilespmem:$0x16440] =	vst v63  }
0x21: {  	p0 =	seq.s32 s22, $0x1;
	s20 =	simm.s32 $0xB040  }
0x22: {  	s20 =	simm.s32 @!p0 $0x9C40  }
0x23: {  	[spmem:s2] =	stream.indirect.scatter.add.f32 [tilespmem:s20], [sflag:$0x2], $0x40, s19, s16, $0xb8;
	[tilespmem:$0x16440] =	vst v63  }
0x24: {  	_ =	swait.ge [sflag:s12], $0x1400  }
0x25: {  	s20 =	simm.s32 $0xA0;
	[sflag:s12] =	ssyncset.done $0x0  }
.LBB2_2:
0x26: {  	[sflag:s12] =	ssyncadd.s32 $0xFFFFEC00  }
0x27: {  	s19 =	sadd.s32 $0x50, s19;
	s22 =	smov.u32 s21;
	s23 =	sadd.s32 $0x1, s21  }
0x28: {  	p0 =	sne.s32 s21, $0xF8;
	_ =	swait.ge [sflag:s14], $0x1400;
	s24 =	sand.u32 $0x1, s23  }
0x29: {  	s21 =	simm.s32 $0xB040;
	[sflag:s14] =	ssyncset.done $0x0;
	p1 =	seq.s32 s24, $0x1  }
0x2a: {  	s22 =	sand.u32 $0x1, s22;
	[sflag:s14] =	ssyncadd.s32 $0xFFFFEC00;
	s21 =	simm.s32 @!p1 $0x9C40  }
0x2b: {  	[tilespmem:s21], [sflag:$0x1] =	stream.indirect.gather [hbm4b:s4+s16], $0x40, s20, s16, $0xb8;
	[tilespmem:$0x16440] =	vst v63  }
.Ltmp0:
0x2c: {  	p1 =	seq.s32 s22, $0x1;
	s21 =	simm.s32 $0xB040;
	(pc) =	sbr.rel @p0 .LBB2_2-.Ltmp0, $4  }
0x2d: {  	s21 =	simm.s32 @!p1 $0x9C40  }
0x2e: {  	[spmem:s2] =	stream.indirect.scatter.add.f32 [tilespmem:s21], [sflag:$0x2], $0x40, s19, s16, $0xb8;
	[tilespmem:$0x16440] =	vst v63  }
0x2f: {  	_ =	swait.ge [sflag:s12], $0x1400  }
0x30: {  	s20 =	sadd.s32 $0x50, s20;
	s21 =	smov.u32 s23;
	[sflag:s12] =	ssyncset.done $0x0  }
0x31: {  	[sflag:s12] =	ssyncadd.s32 $0xFFFFEC00  }
0x32: {  	_ =	swait.ge [sflag:s14], $0x1400  }
0x33: {  	[sflag:s14] =	ssyncset.done $0x0  }
0x34: {  	[sflag:s14] =	ssyncadd.s32 $0xFFFFEC00  }
0x35: {  	[spmem:s2] =	stream.indirect.scatter.add.f32 [tilespmem:s15], [sflag:$0x2], $0x40, s17, s16, $0xb8;
	[tilespmem:$0x16440] =	vst v63  }
0x36: {  	_ =	swait.ge [sflag:s12], $0x1400  }
0x37: {  	s18 =	sadd.s32 $0x1, s18;
	[sflag:s12] =	ssyncset.done $0x0  }
0x38: {  	p0 =	sne.s32 s18, s10;
	[sflag:s12] =	ssyncadd.s32 $0xFFFFEC00  }
.Ltmp1:
0x39: {  	[bflag:$0x0] =	sbarrier.arrive $0xFFFF;
	(pc) =	sbr.rel @p0 .LBB2_1-.Ltmp1, $4  }
0x3a: {  	[hbm:s9], [sflag:s6] =	dma.local [spmem:s11], $0x1400  }
0x3b: {  	_ =	swait.ge [sflag:s12], $0x1400  }
0x3c: {  	[sflag:s12] =	ssyncset.done $0x0  }
0x3d: {  	[sflag:s12] =	ssyncadd.s32 $0xFFFFEC00  }
0x3e: {  	_ =	sfence.sel $0x180000  }
0x3f: {  	[bflag:$0x0] =	sbarrier.arrive $0xFFFF  }
0x40: {  	p0 =	sne.s32 s0, $0x0;
	_ =	strace $0x9000004A  }
0x41: {  	s0 =	sadd.s32 @!p0 $0x100000, s1;
	[bflag:$0x2] =	sbarrier.arrive $0xFFFF  }
0x42: {  	[sflag:s0] =	ssyncadd.tile.s32 @!p0 $0x1;
	_ =	shalt  }
.Lfunc_end2:
_tile_overlayer_lowered:
.L_overlay_start_2:
0x43: {  	(tag) =	ssettag $0x2  }
0x44: {  	s0 =	rddreg [dreg:$0x0];
	s2 =	stileid.u32  }
0x45: {  	s1 =	rddreg [dreg:$0x1];
	p0 =	sne.s32 s2, $0x0  }
0x46: {  	s3 =	rddreg [dreg:$0x2];
	[bflag:$0x3] =	sbarrier.arrive $0xFFFF;
	s2 =	simm.s32 @!p0 $0x1C02  }
0x47: {  	[timem:s3], [sflag:s2] =	dma.local @!p0 [hbm:s0], s1  }
0x48: {  	s0 =	simm.s32 @!p0 $0x2  }
0x49: {  	_ =	swait.ge @!p0 [sflag:s0], s1  }
0x4a: {  	s1 =	ssub.s32 @!p0 $0x0, s1;
	[sflag:s0] =	ssyncset.done @!p0 $0x0  }
0x4b: {  	[sflag:s0] =	ssyncadd.s32 @!p0 s1  }
0x4c: {  	[bflag:$0x3] =	sbarrier.arrive $0xFFFF  }
0x4d: {  	_ =	shalt  }

// kernel: kernel.8.cloned.1.call-start
scs
__scs_entry_jumppad:
0x0: {  	(pc) =	sbr.rel $0x88, $3  }
0x1: {  	(tag) =	ssettag $0x0;
	lr =	simm.s32 $0x1  }
0x2: {  	[smem:$0x3F7D] =	sst lr;
	_ =	strace $0xD0000000  }
0x3: {  	_ = 	snop  }
0x4: {  	_ = 	snop  }
0x5: {  	_ = 	snop  }
0x6: {  	_ = 	snop  }
0x7: {  	_ = 	snop  }
__scs_overlays_trampoline_lowered:
0x8: {  	[smem:$0x3F8C] =	sst s0  }
0x9: {  	[smem:$0x3F8D] =	sst s1  }
0xa: {  	[smem:$0x3F8E] =	sst s2  }
0xb: {  	[smem:$0x3F8F] =	sst s3  }
0xc: {  	[smem:$0x3F90] =	sst s4  }
0xd: {  	[smem:$0x3F91] =	sst s5  }
0xe: {  	[smem:$0x3F92] =	sst s6  }
0xf: {  	[smem:$0x3F93] =	sst s7  }
0x10: {  	[smem:$0x3F94] =	sst s8  }
0x11: {  	[smem:$0x3F95] =	sst s9;
	s0 =	simm.s32 @!p0 $0x0  }
0x12: {  	s1 =	sld [smem:$0x3F7B];
	s0 =	simm.s32 @p0 $0x1  }
0x13: {  	[smem:$0x3F96] =	sst s0;
	s0 =	simm.s32 @!p1 $0x0  }
0x14: {  	s2 =	sld [smem:$0x3F7A];
	s0 =	simm.s32 @p1 $0x1  }
0x15: {  	[smem:$0x3F97] =	sst s0;
	s0 =	simm.s32 @!p2 $0x0  }
0x16: {  	s3 =	sld [smem:$0x3FDB];
	s0 =	simm.s32 @p2 $0x1  }
0x17: {  	s4 =	simm.s32 $0x1BF5;
	[smem:$0x3F99] =	sst s0  }
0x18: {  	s0 =	sld [smem:$0x3F7C];
	_ =	swait.ge [sflag:s4], $0x0  }
0x19: {  	s7 =	sld [smem:$0x3F7D]  }
0x1a: {  	s8 =	sadd.s32 $0xFFFFE003, lr  }
0x1b: {  	s9 =	sadd.s32 $0xFFFFFEF7, lr;
	s5 =	simm.s32 $0xFFFFFFFF;
	p2 =	slt.u32 s8, $0xFFFFF086  }
0x1c: {  	p1 =	slt.u32 s9, $0xF7A;
	s5 =	simm.s32 @!p2 $0x0  }
0x1d: {  	s5 =	simm.s32 @p1 $0x1;
	p0 =	seq.s32 s7, s2  }
0x1e: {  	s7 =	smul.u32 @!p0 $0xF7A, s2;
	p2 =	seq.s32 @!p0 s5, $0x0  }
0x1f: {  	s9 =	smul.u32 $0xF7A, s1;
	s8 =	simm.s32 @!p0 $0x1BF5;
	p2 =	por !p2, p0  }
0x20: {  	[sflag:s8] =	ssyncset.s32 @!p0 $0xFFFFF086;
	s6 =	sadd.s32 @!p0 s3, s7;
	s7 =	simm.s32 @!p0 $0x108  }
0x21: {  	s3 =	sadd.s32 s3, s9;
	s6 =	sadd.s32 @!p0 $0x88, s6;
	s7 =	simm.s32 @p2 $0x1082  }
0x22: {  	[simem:s7], [sflag:s8] =	dma.local @!p0 [hbm:s6], $0xF7A  }
0x23: {  	s9 =	sor.u32 $0xD0000000, s2;
	s6 =	simm.s32 $0x108;
	_ =	swait.ge @!p0 [sflag:s8], $0x0  }
0x24: {  	s3 =	sadd.s32 $0x88, s3;
	s6 =	simm.s32 @!p1 $0x1082;
	[sflag:s4] =	ssyncset.s32 $0xFFFFF086  }
0x25: {  	[simem:s6], [sflag:s4] =	dma.local [hbm:s3], $0xF7A  }
0x26: {  	[smem:$0x3F7D] =	sst s1;
	(tag) =	ssettag s2;
	_ =	strace s9  }
0x27: {  	s1 =	sld [smem:$0x3F8D]  }
0x28: {  	s2 =	sld [smem:$0x3F8E]  }
0x29: {  	s4 =	sld [smem:$0x3F90]  }
0x2a: {  	p0 =	seq.s32 s5, $0x0;
	s5 =	sld [smem:$0x3F91]  }
0x2b: {  	s6 =	sld [smem:$0x3F92]  }
0x2c: {  	s7 =	sld [smem:$0x3F93]  }
0x2d: {  	s3 =	simm.s32 $0x108;
	s8 =	sld [smem:$0x3F94]  }
0x2e: {  	s3 =	simm.s32 @!p0 $0x1082;
	s9 =	sld [smem:$0x3F95]  }
0x2f: {  	lr =	sadd.s32 s0, s3;
	s0 =	sld [smem:$0x3F8C]  }
0x30: {  	s3 =	sld [smem:$0x3F8F]  }
0x31: {  	[smem:$0x3F98] =	sst s10  }
0x32: {  	s10 =	sld [smem:$0x3F96];
	_ =	sdelay $0x3  }
0x33: {  	p0 =	seq.s32 s10, $0x1;
	s10 =	sld [smem:$0x3F98];
	_ =	sdelay $0x3  }
0x34: {  	[smem:$0x3F98] =	sst s10  }
0x35: {  	s10 =	sld [smem:$0x3F97];
	_ =	sdelay $0x3  }
0x36: {  	p1 =	seq.s32 s10, $0x1;
	s10 =	sld [smem:$0x3F98];
	_ =	sdelay $0x3  }
0x37: {  	[smem:$0x3F98] =	sst s10  }
0x38: {  	s10 =	sld [smem:$0x3F99]  }
0x39: {  	_ = 	snop;
	(pc) =	sbr.ind lr, $3  }
0x3a: {  	_ = 	snop  }
0x3b: {  	_ = 	snop  }
0x3c: {  	p2 =	seq.s32 s10, $0x1;
	s10 =	sld [smem:$0x3F98]  }
0x3d: {  	_ =	shalt  }
0x3e: {  	_ =	shalt  }
0x3f: {  	_ =	shalt  }
0x40: {  	_ =	shalt  }
0x41: {  	_ =	shalt  }
0x42: {  	_ =	shalt  }
0x43: {  	_ =	shalt  }
0x44: {  	_ =	shalt  }
0x45: {  	_ =	shalt  }
0x46: {  	_ =	shalt  }
0x47: {  	_ =	shalt  }
0x48: {  	_ =	shalt  }
0x49: {  	_ =	shalt  }
0x4a: {  	_ =	shalt  }
0x4b: {  	_ =	shalt  }
0x4c: {  	_ =	shalt  }
0x4d: {  	_ =	shalt  }
0x4e: {  	_ =	shalt  }
0x4f: {  	_ =	shalt  }
0x50: {  	_ =	shalt  }
0x51: {  	_ =	shalt  }
0x52: {  	_ =	shalt  }
0x53: {  	_ =	shalt  }
0x54: {  	_ =	shalt  }
0x55: {  	_ =	shalt  }
0x56: {  	_ =	shalt  }
0x57: {  	_ =	shalt  }
0x58: {  	_ =	shalt  }
0x59: {  	_ =	shalt  }
0x5a: {  	_ =	shalt  }
0x5b: {  	_ =	shalt  }
0x5c: {  	_ =	shalt  }
0x5d: {  	_ =	shalt  }
0x5e: {  	_ =	shalt  }
0x5f: {  	_ =	shalt  }
0x60: {  	_ =	shalt  }
0x61: {  	_ =	shalt  }
0x62: {  	_ =	shalt  }
0x63: {  	_ =	shalt  }
0x64: {  	_ =	shalt  }
0x65: {  	_ =	shalt  }
0x66: {  	_ =	shalt  }
0x67: {  	_ =	shalt  }
0x68: {  	_ =	shalt  }
0x69: {  	_ =	shalt  }
0x6a: {  	_ =	shalt  }
0x6b: {  	_ =	shalt  }
0x6c: {  	_ =	shalt  }
0x6d: {  	_ =	shalt  }
0x6e: {  	_ =	shalt  }
0x6f: {  	_ =	shalt  }
0x70: {  	_ =	shalt  }
0x71: {  	_ =	shalt  }
0x72: {  	_ =	shalt  }
0x73: {  	_ =	shalt  }
0x74: {  	_ =	shalt  }
0x75: {  	_ =	shalt  }
0x76: {  	_ =	shalt  }
0x77: {  	_ =	shalt  }
0x78: {  	_ =	shalt  }
0x79: {  	_ =	shalt  }
0x7a: {  	_ =	shalt  }
0x7b: {  	_ =	shalt  }
0x7c: {  	_ =	shalt  }
0x7d: {  	_ =	shalt  }
0x7e: {  	_ =	shalt  }
0x7f: {  	_ =	shalt  }
0x80: {  	_ =	shalt  }
0x81: {  	_ =	shalt  }
0x82: {  	_ =	shalt  }
0x83: {  	_ =	shalt  }
0x84: {  	_ =	shalt  }
0x85: {  	_ =	shalt  }
0x86: {  	_ =	shalt  }
0x87: {  	_ =	shalt  }
.Lfunc_end0:
.L_simem_size_0:
called_computation_lowered:
.L_overlay_start_0:
0x88: {  	s2 =	sld [smem:$0x3FD9]  }
0x89: {  	s3 =	sld [smem:$0x3FFE];
	_ =	sdelay $0x1  }
0x8a: {  	s1 =	srdreg.scid  }
0x8b: {  	s0 =	sand.u32 $0x1, s1  }
0x8c: {  	s16 =	sshll.u32 s0, $0xA;
	s2 =	sadd.s32 s3, s2  }
0x8d: {  	s2 =	sadd.s32 s2, s16  }
0x8e: {  	[smem:$0x3FA4] =	sst s2  }
0x8f: {  	_ = 	snop  }
0x90: {  	(tm) =	ssettm $0x1  }
0x91: {  	s17 =	sld [smem:$0x3FFB];
	_ =	sdelay $0x3  }
0x92: {  	_ =	strace s17  }
0x93: {  	s2 =	sld [smem:$0x3FFC];
	_ =	sdelay $0x3  }
0x94: {  	_ =	strace s2  }
0x95: {  	s2 =	sld [smem:$0x3FFD];
	_ =	sdelay $0x3  }
0x96: {  	_ =	strace s2  }
0x97: {  	_ =	strace $0x8FFFFFFF  }
0x98: {  	s18 =	sld [smem:$0x3FDB];
	_ =	sdelay $0x1  }
0x99: {  	s19 =	simm.s32 $_scs_section_size  }
0x9a: {  	s4 =	simm.s32 $_size__tile_overlayer_lowered;
	s5 =	simm.s32 $_tile_overlayer_lowered  }
0x9b: {  	s22 =	simm.s32 $0x1BFF;
	s21 =	sshll.u32 s5, $0x1;
	s2 =	sadd.s32 s19, s18  }
0x9c: {  	s6 =	simm.s32 $0x0;
	s20 =	sshll.u32 s4, $0x1;
	s4 =	sadd.s32 s21, s2  }
0x9d: {  	[timem:s6], [sflag:s22] =	dma.local [hbm:s4], s20  }
0x9e: {  	_ =	swait.ge [sflag:s22], s20  }
0x9f: {  	s3 =	ssub.s32 $0x0, s20;
	[sflag:s22] =	ssyncset.done $0x0  }
0xa0: {  	[sflag:s22] =	ssyncadd.s32 s3;
	_ =	sdelay $0x1  }
0xa1: {  	s23 =	simm.s32 $0x1B8B  }
0xa2: {  	_ =	swait.ge [sflag:s23], $0x1  }
0xa3: {  	[sflag:s23] =	ssyncset.done $0x0  }
0xa4: {  	s25 =	simm.s32 $0x1B8E;
	s24 =	sld [smem:$0x3FFE];
	[sflag:s23] =	ssyncadd.s32 $0xFFFFFFFF  }
0xa5: {  	s26 =	simm.s32 $execute0_lowered;
	[smem:$0x3FD2] =	sst s25  }
0xa6: {  	s4 =	sshll.u32 s26, $0x1;
	_ =	strace $0x80000046;
	[dreg:$0x1] =	wrdreg $0xFFFFFFFF  }
0xa7: {  	s28 =	simm.s32 $_size_execute0_lowered;
	s2 =	sadd.s32 s2, s4;
	[dreg:$0x0] =	wrdreg $0x0  }
0xa8: {  	s4 =	sshll.u32 s28, $0x1;
	[dreg:$0x2] =	wrdreg s2  }
0xa9: {  	[dreg:$0x3] =	wrdreg s4  }
0xaa: {  	[dreg:$0x4] =	wrdreg $0xC0  }
0xab: {  	_ =	task [dreg:s6], $0x5FFFF  }
0xac: {  	[dreg:$0x1] =	wrdreg $0xFFFFFFFF  }
0xad: {  	[dreg:$0x0] =	wrdreg $0x60  }
0xae: {  	[dreg:$0x2] =	wrdreg s24  }
0xaf: {  	[dreg:$0x3] =	wrdreg $0x62200  }
0xb0: {  	[dreg:$0x4] =	wrdreg $0x9  }
0xb1: {  	_ =	task.clear_ibuf [dreg:s6], $0x5FFFF;
	_ =	strace $0x90000046  }
0xb2: {  	s29 =	simm.s32 $0x9;
	_ =	strace $0x80000048  }
0xb3: {  	_ =	swait.ge [sflag:s29], $0x1  }
0xb4: {  	[sflag:s29] =	ssyncadd.s32 $0xFFFFFFFF  }
0xb5: {  	_ =	strace $0x90000048  }
0xb6: {  	_ =	sfence  }
0xb7: {  	s30 =	sld [smem:$0x0];
	_ =	sdelay $0x2  }
0xb8: {  	s31 =	sshll.u32 s1, $0xD;
	s1 =	sshrl.u32 s1, $0x2  }
0xb9: {  	s3 =	sand.u32 $0x4000, s31;
	s1 =	sadd.s32 s1, s30  }
0xba: {  	s0 =	sor.u32 s3, s0;
	s1 =	sshll.u32 s1, $0x11  }
0xbb: {  	s0 =	sor.u32 s1, s0  }
0xbc: {  	s0 =	sadd.s32 $0x8F2B, s0  }
0xbd: {  	[sflag:s0] =	ssyncadd.remote.s32 $0x1  }
0xbe: {  	_ =	sfence.sel $0xFFFF  }
0xbf: {  	[dreg:$0x0] =	wrdreg $0xFFFFFFFF;
	(pc) =	sbr.abs _section_cstart, $3  }
0xc0: {  	[dreg:$0x1] =	wrdreg $0xFFFFFFFF  }
0xc1: {  	_ =	task.clear_ibuf [dreg:s6], $0x2FFFF;
	_ =	strace $0x9FFFFFFF  }
0xc2: {  	(tm) =	ssettm $0x7FFFFFFF  }
0xc3: {  	_ =	shalt  }
tec
execute0_lowered:
.L_overlay_start_1:
0x0: {  	(tag) =	ssettag $0x1  }
0x1: {  	s6 =	rddreg [dreg:$0x0]  }
0x2: {  	s0 =	srdreg.scid;
	s2 =	rddreg [dreg:$0x1]  }
0x3: {  	s3 =	simm.s32 $0x0;
	s5 =	sand.u32 $0x1, s0;
	s0 =	stileid.u32  }
0x4: {  	s13 =	simm.s32 $0x50;
	s14 =	simm.s32 $0x0;
	s7 =	smul.u32 $0xA000, s0  }
0x5: {  	[smem:$0x7FF] =	sst s3;
	s1 =	sshll.u32 s5, $0x4;
	s8 =	smul.u32 $0x1400, s0  }
0x6: {  	s9 =	smul.u32 $0x14000, s5;
	s5 =	ssub.s32 $0x2, s5;
	s1 =	sor.u32 s0, s1  }
0x7: {  	s31 =	sshll.u32 s0, $0x6;
	s30 =	sshrl.u32 s5, $0x1;
	s4 =	smul.u32 $0x9C4, s1  }
0x8: {  	s1 =	rddreg [dreg:$0x2];
	_ =	strace $0x80000047;
	s11 =	sshrl.u32 s7, $0x3  }
0x9: {  	s8 =	sadd.s32 s8, s9;
	s9 =	ssub.s32 s5, s30;
	s12 =	sadd.s32 s7, s2  }
0xa: {  	s11 =	sadd.s32 s11, s6;
	s8 =	sadd.s32 s8, s6;
	s12 =	sshrl.u32 s12, $0x3  }
0xb: {  	s10 =	sadd.s32 s4, s6;
	s4 =	sadd.s32 $0x18E00, s6;
	s5 =	sadd.s32 $0x19200, s11  }
0xc: {  	s7 =	sadd.s32 $0x2D200, s8;
	s8 =	smax.u32 s9, $0x1;
	s9 =	simm.s32 $0x4E20  }
0xd: {  	s11 =	sor.u32 $0x1C01, s31;
	s6 =	sadd.s32 $0x5400, s10;
	s10 =	simm.s32 $0x1  }
.LBB2_1:
0xe: {  	[tilespmem:s9], [sflag:$0x1] =	stream.linear.gather [hbm4b:s4+s3], $0x1400, $0x38;
	[tilespmem:$0x10220] =	vst v63  }
0xf: {  	_ =	swait.ge [sflag:s10], $0x1400  }
0x10: {  	[sflag:s10] =	ssyncset.done $0x0  }
0x11: {  	[sflag:s10] =	ssyncadd.s32 $0xFFFFEC00  }
0x12: {  	[spmem:s12], [sflag:s11] =	dma.local [hbm:s5], $0x1400  }
0x13: {  	_ =	swait.ge [sflag:s10], $0x1400  }
0x14: {  	[sflag:s10] =	ssyncset.done $0x0  }
0x15: {  	[sflag:s10] =	ssyncadd.s32 $0xFFFFEC00  }
0x16: {  	[tilespmem:s3], [sflag:$0x1] =	stream.linear.gather [hbm4b:s6+s3], $0x4E20, $0x38;
	[tilespmem:$0x10220] =	vst v63  }
0x17: {  	_ =	swait.ge [sflag:s10], $0x4E20  }
0x18: {  	[sflag:s10] =	ssyncset.done $0x0  }
0x19: {  	[sflag:s10] =	ssyncadd.s32 $0xFFFFB1E0  }
0x1a: {  	s15 =	simm.s32 $0x0;
	[bflag:$0x0] =	sbarrier.arrive $0xFFFF  }
0x1b: {  	[spmem:s2] =	stream.indirect.scatter.add.f32 [tilespmem:s9], [sflag:$0x1], $0x40, s15, s13, $0xb8;
	[tilespmem:$0x10220] =	vst v63  }
0x1c: {  	_ =	swait.ge [sflag:s10], $0x1400  }
0x1d: {  	s15 =	simm.s32 $0x140;
	[sflag:s10] =	ssyncset.done $0x0  }
.LBB2_2:
0x1e: {  	s16 =	sshra.s32 s15, $0x2;
	[sflag:s10] =	ssyncadd.s32 $0xFFFFEC00;
	p0 =	sne.s32 s15, $0x13740  }
0x1f: {  	[spmem:s2] =	stream.indirect.scatter.add.f32 [tilespmem:s9], [sflag:$0x1], $0x40, s16, s13, $0xb8;
	[tilespmem:$0x10220] =	vst v63  }
.Ltmp0:
0x20: {  	_ = 	snop;
	(pc) =	sbr.rel @p0 .LBB2_2-.Ltmp0, $4  }
0x21: {  	_ = 	snop  }
0x22: {  	s15 =	sadd.s32 $0x140, s15  }
0x23: {  	_ =	swait.ge [sflag:s10], $0x1400  }
0x24: {  	[sflag:s10] =	ssyncset.done $0x0  }
0x25: {  	s14 =	sadd.s32 $0x1, s14  }
0x26: {  	[sflag:s10] =	ssyncadd.s32 $0xFFFFEC00;
	p0 =	sne.s32 s14, s8  }
.Ltmp1:
0x27: {  	[bflag:$0x0] =	sbarrier.arrive $0xFFFF;
	(pc) =	sbr.rel @p0 .LBB2_1-.Ltmp1, $4  }
0x28: {  	[hbm:s7], [sflag:s11] =	dma.local [spmem:s12], $0x1400  }
0x29: {  	_ =	swait.ge [sflag:s10], $0x1400  }
0x2a: {  	[sflag:s10] =	ssyncset.done $0x0  }
0x2b: {  	[sflag:s10] =	ssyncadd.s32 $0xFFFFEC00  }
0x2c: {  	_ =	sfence.sel $0x180000  }
0x2d: {  	[bflag:$0x0] =	sbarrier.arrive $0xFFFF  }
0x2e: {  	p0 =	sne.s32 s0, $0x0;
	_ =	strace $0x90000047  }
0x2f: {  	s0 =	sadd.s32 @!p0 $0x100000, s1;
	[bflag:$0x2] =	sbarrier.arrive $0xFFFF  }
0x30: {  	[sflag:s0] =	ssyncadd.tile.s32 @!p0 $0x1;
	_ =	shalt  }
.Lfunc_end2:
_tile_overlayer_lowered:
.L_overlay_start_2:
0x31: {  	(tag) =	ssettag $0x2  }
0x32: {  	s0 =	rddreg [dreg:$0x0];
	s2 =	stileid.u32  }
0x33: {  	s1 =	rddreg [dreg:$0x1];
	p0 =	sne.s32 s2, $0x0  }
0x34: {  	s3 =	rddreg [dreg:$0x2];
	[bflag:$0x3] =	sbarrier.arrive $0xFFFF;
	s2 =	simm.s32 @!p0 $0x1C01  }
0x35: {  	[timem:s3], [sflag:s2] =	dma.local @!p0 [hbm:s0], s1  }
0x36: {  	s0 =	simm.s32 @!p0 $0x1  }
0x37: {  	_ =	swait.ge @!p0 [sflag:s0], s1  }
0x38: {  	s1 =	ssub.s32 @!p0 $0x0, s1;
	[sflag:s0] =	ssyncset.done @!p0 $0x0  }
0x39: {  	[sflag:s0] =	ssyncadd.s32 @!p0 s1  }
0x3a: {  	[bflag:$0x3] =	sbarrier.arrive $0xFFFF  }
0x3b: {  	_ =	shalt  }

</sc_bundles>
